<compile_context>
chip_gen: v7x
topology: tpu7x:2x2x1
jax: 0.10.2.dev20260603
libtpu: 0.0.44.dev20260713+nightly
codegen_flags: <defaults>
</compile_context>

<pallas_src>
import functools

import jax
import jax.numpy as jnp
from jax import lax
from jax.experimental import pallas as pl
from jax.experimental.pallas import tpu as pltpu
from jax.experimental.pallas import tpu_sc as plsc

_NC = 2
_NS = 16
_NW = _NC * _NS


@functools.partial(jax.jit, static_argnames=("cols_per_w",))
def _sc_gather(xt, table, *, cols_per_w):
    H, B = xt.shape
    D = table.shape[1]
    n_chunks = H
    mesh = plsc.VectorSubcoreMesh(core_axis_name="c", subcore_axis_name="s")

    nbuf = 7
    look = 5
    lag = nbuf - look

    @functools.partial(
        pl.kernel,
        out_type=jax.ShapeDtypeStruct((H, B, D), jnp.float32),
        mesh=mesh,
        scratch_types=[
            pltpu.VMEM((H, cols_per_w), jnp.int32),
            pltpu.VMEM((nbuf, cols_per_w, D), jnp.float32),
            pltpu.SemaphoreType.DMA((nbuf,)),
            pltpu.SemaphoreType.DMA((nbuf,)),
        ],
    )
    def k(xt_hbm, table_hbm, out_hbm, idx_v, rows_v, gsem, osem):
        wid = lax.axis_index("s") * _NC + lax.axis_index("c")
        col0 = wid * cols_per_w
        pltpu.sync_copy(xt_hbm.at[:, pl.ds(col0, cols_per_w)], idx_v)

        def gather(c, s):
            return pltpu.make_async_copy(
                table_hbm.at[idx_v.at[c]],
                rows_v.at[s],
                gsem.at[s],
            )

        def copy_out(c, s):
            return pltpu.make_async_copy(
                rows_v.at[s],
                out_hbm.at[c].at[pl.ds(col0, cols_per_w)],
                osem.at[s],
            )

        for c0 in range(look):
            gather(c0, c0).start()

        n_steps = n_chunks + lag

        def step(p, carry):
            for b in range(nbuf):
                c = nbuf * p + b
                s_next = (b + look) % nbuf

                @pl.when(jnp.logical_and(c >= lag, c < n_chunks + lag))
                def _():
                    copy_out(c - lag, s_next).wait()

                @pl.when(c + look < n_chunks)
                def _():
                    gather(c + look, s_next).start()

                @pl.when(c < n_chunks)
                def _():
                    gather(c, b).wait()
                    copy_out(c, b).start()

            return carry

        lax.fori_loop(0, (n_steps + nbuf - 1) // nbuf, step, 0)

    return k(xt, table)


def kernel(x, table):
    B, H = x.shape
    cols_per_w = B // _NW
    xt = jnp.swapaxes(x.astype(jnp.int32), 0, 1)
    out = _sc_gather(xt, table, cols_per_w=cols_per_w)
    return jnp.swapaxes(out, 0, 1)

# --- scband reference (transcript-rebuilt; emitter-appended) ---
"""Pipeline reference for scband-embedding-layer-60928406061130 (READ-ONLY COPY).

The authoritative reference and input builder live on the scoring server;
editing this copy changes nothing except your own understanding.
"""

import jax, jax.numpy as jnp
import numpy as np

VOCAB = 100000
EMBED_DIM = 128
BATCH = 4096
HIST = 50

def setup_inputs(seed: int = 0) -> dict:
    key = jax.random.key(seed)
    k1, k2 = jax.random.split(key)
    x = jax.random.randint(k1, (BATCH, HIST), 0, VOCAB, dtype=jnp.int64 if jax.config.jax_enable_x64 else jnp.int32)
    table = jax.random.normal(k2, (VOCAB, EMBED_DIM), dtype=jnp.float32)
    return {"x": x, "table": table}

def reference(x, table):
    # nn.Embedding forward: gather rows of the embedding table
    return jnp.take(table, x, axis=0)

if __name__ == "__main__":
    import jax
    _d = setup_inputs()
    print(jax.jit(kernel)(*tuple(_d.values())))

</pallas_src>

<mosaic_0001>
#map = affine_map<(d0, d1) -> (0, 0)>
#map1 = affine_map<(d0, d1) -> (0, 0, 0)>
module attributes {stable_mosaic.version = 14 : i64} {
  func.func @k(%arg0: i32, %arg1: i32, %arg2: memref<50x4096xi32, #tpu.memory_space<hbm>>, %arg3: memref<100000x128xf32, #tpu.memory_space<hbm>>, %arg4: memref<50x4096x128xf32, #tpu.memory_space<hbm>>, %arg5: memref<50x128xi32, #tpu.memory_space<vmem>>, %arg6: memref<7x128x128xf32, #tpu.memory_space<vmem>>, %arg7: memref<7x!tpu.dma_semaphore, #tpu.memory_space<semaphore_mem>>, %arg8: memref<7x!tpu.dma_semaphore, #tpu.memory_space<semaphore_mem>>) attributes {dimension_semantics = [#tpu.dimension_semantics<core_parallel>, #tpu.dimension_semantics<subcore_parallel>], iteration_bounds = array<i64: 2, 16>, scalar_prefetch = 0 : i64, scratch_operands = 4 : i64, tpu.core_type = #tpu.core_type<sc_vector_subcore>, window_params = [{transform_indices = #map}, {transform_indices = #map}, {transform_indices = #map1}]} {
    %mul3A = arith.constant 2 : i32
    %mul3A_0 = arith.muli %arg1, %mul3A : i32
    %add3A = arith.addi %mul3A_0, %arg0 : i32
    %mul3A_1 = arith.constant 128 : i32
    %mul3A_2 = arith.muli %add3A, %mul3A_1 : i32
    "tpu.region"() ({
      %run_scoped3A = tpu.sem_alloc : memref<!tpu.dma_semaphore, #tpu.memory_space<semaphore_mem>>
      %dma_start3A_82 = arith.constant 0 : i32
      %dma_start3A_83 = tpu.memref_slice %arg2[%dma_start3A_82, %mul3A_2] : memref<50x4096xi32, #tpu.memory_space<hbm>> -> memref<50x128xi32, #tpu.memory_space<hbm>>
      %dma_start3A_84 = arith.constant 0 : i32
      %dma_start3A_85 = tpu.memref_slice %arg2[%dma_start3A_84, %mul3A_2] : memref<50x4096xi32, #tpu.memory_space<hbm>> -> memref<50x128xi32, #tpu.memory_space<hbm>>
      tpu.enqueue_dma source(%dma_start3A_85 : memref<50x128xi32, #tpu.memory_space<hbm>>) target(%arg5 : memref<50x128xi32, #tpu.memory_space<vmem>>) target_semaphore(%run_scoped3A : memref<!tpu.dma_semaphore, #tpu.memory_space<semaphore_mem>>)
      %dma_wait3A = arith.constant 0 : i32
      %dma_wait3A_86 = tpu.memref_slice %arg2[%dma_wait3A, %mul3A_2] : memref<50x4096xi32, #tpu.memory_space<hbm>> -> memref<50x128xi32, #tpu.memory_space<hbm>>
      %dma_wait3A_87 = arith.constant 0 : i32
      %dma_wait3A_88 = tpu.memref_slice %arg2[%dma_wait3A_87, %mul3A_2] : memref<50x4096xi32, #tpu.memory_space<hbm>> -> memref<50x128xi32, #tpu.memory_space<hbm>>
      tpu.wait_dma2 semaphore(%run_scoped3A : memref<!tpu.dma_semaphore, #tpu.memory_space<semaphore_mem>>) src(%dma_wait3A_88 : memref<50x128xi32, #tpu.memory_space<hbm>>) dst(%arg5 : memref<50x128xi32, #tpu.memory_space<vmem>>)
      tpu.yield
    }) : () -> ()
    %dma_start3A = arith.constant 0 : i32
    %dma_start3A_3 = arith.constant 0 : i32
    %dma_start3A_4 = arith.constant 0 : i32
    %dma_start3A_5 = arith.constant 0 : i32
    %dma_start3A_6 = arith.constant 0 : i32
    %dma_start3A_7 = tpu.memref_slice %arg6[%dma_start3A_3, %dma_start3A_5, %dma_start3A_6] : memref<7x128x128xf32, #tpu.memory_space<vmem>> -> memref<1x128x128xf32, #tpu.memory_space<vmem>>
    %dma_start3A_8 = tpu.memref_squeeze %dma_start3A_7 : memref<1x128x128xf32, #tpu.memory_space<vmem>> -> memref<128x128xf32, #tpu.memory_space<vmem>>
    %dma_start3A_9 = arith.constant 0 : i32
    %dma_start3A_10 = tpu.memref_slice %arg5[%dma_start3A, %dma_start3A_9] : memref<50x128xi32, #tpu.memory_space<vmem>> -> memref<1x128xi32, #tpu.memory_space<vmem>>
    %dma_start3A_11 = tpu.memref_squeeze %dma_start3A_10 : memref<1x128xi32, #tpu.memory_space<vmem>> -> memref<128xi32, #tpu.memory_space<vmem>>
    %dma_start3A_12 = arith.constant 0 : i32
    %dma_start3A_13 = arith.constant 0 : i32
    %dma_start3A_14 = tpu.memref_slice %arg3[%dma_start3A_12, %dma_start3A_13] : memref<100000x128xf32, #tpu.memory_space<hbm>> -> memref<100000x128xf32, #tpu.memory_space<hbm>>
    %dma_start3A_15 = tpu.memref_slice %arg7[%dma_start3A_4] : memref<7x!tpu.dma_semaphore, #tpu.memory_space<semaphore_mem>> -> memref<1x!tpu.dma_semaphore, #tpu.memory_space<semaphore_mem>>
    %dma_start3A_16 = tpu.memref_squeeze %dma_start3A_15 : memref<1x!tpu.dma_semaphore, #tpu.memory_space<semaphore_mem>> -> memref<!tpu.dma_semaphore, #tpu.memory_space<semaphore_mem>>
    tpu.enqueue_indirect_dma source(%dma_start3A_14 : memref<100000x128xf32, #tpu.memory_space<hbm>>) target(%dma_start3A_8 : memref<128x128xf32, #tpu.memory_space<vmem>>) offsets(%dma_start3A_11 : memref<128xi32, #tpu.memory_space<vmem>>) semaphore(%dma_start3A_16 : memref<!tpu.dma_semaphore, #tpu.memory_space<semaphore_mem>>)
    %dma_start3A_17 = arith.constant 1 : i32
    %dma_start3A_18 = arith.constant 1 : i32
    %dma_start3A_19 = arith.constant 1 : i32
    %dma_start3A_20 = arith.constant 0 : i32
    %dma_start3A_21 = arith.constant 0 : i32
    %dma_start3A_22 = tpu.memref_slice %arg6[%dma_start3A_18, %dma_start3A_20, %dma_start3A_21] : memref<7x128x128xf32, #tpu.memory_space<vmem>> -> memref<1x128x128xf32, #tpu.memory_space<vmem>>
    %dma_start3A_23 = tpu.memref_squeeze %dma_start3A_22 : memref<1x128x128xf32, #tpu.memory_space<vmem>> -> memref<128x128xf32, #tpu.memory_space<vmem>>
    %dma_start3A_24 = arith.constant 0 : i32
    %dma_start3A_25 = tpu.memref_slice %arg5[%dma_start3A_17, %dma_start3A_24] : memref<50x128xi32, #tpu.memory_space<vmem>> -> memref<1x128xi32, #tpu.memory_space<vmem>>
    %dma_start3A_26 = tpu.memref_squeeze %dma_start3A_25 : memref<1x128xi32, #tpu.memory_space<vmem>> -> memref<128xi32, #tpu.memory_space<vmem>>
    %dma_start3A_27 = arith.constant 0 : i32
    %dma_start3A_28 = arith.constant 0 : i32
    %dma_start3A_29 = tpu.memref_slice %arg3[%dma_start3A_27, %dma_start3A_28] : memref<100000x128xf32, #tpu.memory_space<hbm>> -> memref<100000x128xf32, #tpu.memory_space<hbm>>
    %dma_start3A_30 = tpu.memref_slice %arg7[%dma_start3A_19] : memref<7x!tpu.dma_semaphore, #tpu.memory_space<semaphore_mem>> -> memref<1x!tpu.dma_semaphore, #tpu.memory_space<semaphore_mem>>
    %dma_start3A_31 = tpu.memref_squeeze %dma_start3A_30 : memref<1x!tpu.dma_semaphore, #tpu.memory_space<semaphore_mem>> -> memref<!tpu.dma_semaphore, #tpu.memory_space<semaphore_mem>>
    tpu.enqueue_indirect_dma source(%dma_start3A_29 : memref<100000x128xf32, #tpu.memory_space<hbm>>) target(%dma_start3A_23 : memref<128x128xf32, #tpu.memory_space<vmem>>) offsets(%dma_start3A_26 : memref<128xi32, #tpu.memory_space<vmem>>) semaphore(%dma_start3A_31 : memref<!tpu.dma_semaphore, #tpu.memory_space<semaphore_mem>>)
    %dma_start3A_32 = arith.constant 2 : i32
    %dma_start3A_33 = arith.constant 2 : i32
    %dma_start3A_34 = arith.constant 2 : i32
    %dma_start3A_35 = arith.constant 0 : i32
    %dma_start3A_36 = arith.constant 0 : i32
    %dma_start3A_37 = tpu.memref_slice %arg6[%dma_start3A_33, %dma_start3A_35, %dma_start3A_36] : memref<7x128x128xf32, #tpu.memory_space<vmem>> -> memref<1x128x128xf32, #tpu.memory_space<vmem>>
    %dma_start3A_38 = tpu.memref_squeeze %dma_start3A_37 : memref<1x128x128xf32, #tpu.memory_space<vmem>> -> memref<128x128xf32, #tpu.memory_space<vmem>>
    %dma_start3A_39 = arith.constant 0 : i32
    %dma_start3A_40 = tpu.memref_slice %arg5[%dma_start3A_32, %dma_start3A_39] : memref<50x128xi32, #tpu.memory_space<vmem>> -> memref<1x128xi32, #tpu.memory_space<vmem>>
    %dma_start3A_41 = tpu.memref_squeeze %dma_start3A_40 : memref<1x128xi32, #tpu.memory_space<vmem>> -> memref<128xi32, #tpu.memory_space<vmem>>
    %dma_start3A_42 = arith.constant 0 : i32
    %dma_start3A_43 = arith.constant 0 : i32
    %dma_start3A_44 = tpu.memref_slice %arg3[%dma_start3A_42, %dma_start3A_43] : memref<100000x128xf32, #tpu.memory_space<hbm>> -> memref<100000x128xf32, #tpu.memory_space<hbm>>
    %dma_start3A_45 = tpu.memref_slice %arg7[%dma_start3A_34] : memref<7x!tpu.dma_semaphore, #tpu.memory_space<semaphore_mem>> -> memref<1x!tpu.dma_semaphore, #tpu.memory_space<semaphore_mem>>
    %dma_start3A_46 = tpu.memref_squeeze %dma_start3A_45 : memref<1x!tpu.dma_semaphore, #tpu.memory_space<semaphore_mem>> -> memref<!tpu.dma_semaphore, #tpu.memory_space<semaphore_mem>>
    tpu.enqueue_indirect_dma source(%dma_start3A_44 : memref<100000x128xf32, #tpu.memory_space<hbm>>) target(%dma_start3A_38 : memref<128x128xf32, #tpu.memory_space<vmem>>) offsets(%dma_start3A_41 : memref<128xi32, #tpu.memory_space<vmem>>) semaphore(%dma_start3A_46 : memref<!tpu.dma_semaphore, #tpu.memory_space<semaphore_mem>>)
    %dma_start3A_47 = arith.constant 3 : i32
    %dma_start3A_48 = arith.constant 3 : i32
    %dma_start3A_49 = arith.constant 3 : i32
    %dma_start3A_50 = arith.constant 0 : i32
    %dma_start3A_51 = arith.constant 0 : i32
    %dma_start3A_52 = tpu.memref_slice %arg6[%dma_start3A_48, %dma_start3A_50, %dma_start3A_51] : memref<7x128x128xf32, #tpu.memory_space<vmem>> -> memref<1x128x128xf32, #tpu.memory_space<vmem>>
    %dma_start3A_53 = tpu.memref_squeeze %dma_start3A_52 : memref<1x128x128xf32, #tpu.memory_space<vmem>> -> memref<128x128xf32, #tpu.memory_space<vmem>>
    %dma_start3A_54 = arith.constant 0 : i32
    %dma_start3A_55 = tpu.memref_slice %arg5[%dma_start3A_47, %dma_start3A_54] : memref<50x128xi32, #tpu.memory_space<vmem>> -> memref<1x128xi32, #tpu.memory_space<vmem>>
    %dma_start3A_56 = tpu.memref_squeeze %dma_start3A_55 : memref<1x128xi32, #tpu.memory_space<vmem>> -> memref<128xi32, #tpu.memory_space<vmem>>
    %dma_start3A_57 = arith.constant 0 : i32
    %dma_start3A_58 = arith.constant 0 : i32
    %dma_start3A_59 = tpu.memref_slice %arg3[%dma_start3A_57, %dma_start3A_58] : memref<100000x128xf32, #tpu.memory_space<hbm>> -> memref<100000x128xf32, #tpu.memory_space<hbm>>
    %dma_start3A_60 = tpu.memref_slice %arg7[%dma_start3A_49] : memref<7x!tpu.dma_semaphore, #tpu.memory_space<semaphore_mem>> -> memref<1x!tpu.dma_semaphore, #tpu.memory_space<semaphore_mem>>
    %dma_start3A_61 = tpu.memref_squeeze %dma_start3A_60 : memref<1x!tpu.dma_semaphore, #tpu.memory_space<semaphore_mem>> -> memref<!tpu.dma_semaphore, #tpu.memory_space<semaphore_mem>>
    tpu.enqueue_indirect_dma source(%dma_start3A_59 : memref<100000x128xf32, #tpu.memory_space<hbm>>) target(%dma_start3A_53 : memref<128x128xf32, #tpu.memory_space<vmem>>) offsets(%dma_start3A_56 : memref<128xi32, #tpu.memory_space<vmem>>) semaphore(%dma_start3A_61 : memref<!tpu.dma_semaphore, #tpu.memory_space<semaphore_mem>>)
    %dma_start3A_62 = arith.constant 4 : i32
    %dma_start3A_63 = arith.constant 4 : i32
    %dma_start3A_64 = arith.constant 4 : i32
    %dma_start3A_65 = arith.constant 0 : i32
    %dma_start3A_66 = arith.constant 0 : i32
    %dma_start3A_67 = tpu.memref_slice %arg6[%dma_start3A_63, %dma_start3A_65, %dma_start3A_66] : memref<7x128x128xf32, #tpu.memory_space<vmem>> -> memref<1x128x128xf32, #tpu.memory_space<vmem>>
    %dma_start3A_68 = tpu.memref_squeeze %dma_start3A_67 : memref<1x128x128xf32, #tpu.memory_space<vmem>> -> memref<128x128xf32, #tpu.memory_space<vmem>>
    %dma_start3A_69 = arith.constant 0 : i32
    %dma_start3A_70 = tpu.memref_slice %arg5[%dma_start3A_62, %dma_start3A_69] : memref<50x128xi32, #tpu.memory_space<vmem>> -> memref<1x128xi32, #tpu.memory_space<vmem>>
    %dma_start3A_71 = tpu.memref_squeeze %dma_start3A_70 : memref<1x128xi32, #tpu.memory_space<vmem>> -> memref<128xi32, #tpu.memory_space<vmem>>
    %dma_start3A_72 = arith.constant 0 : i32
    %dma_start3A_73 = arith.constant 0 : i32
    %dma_start3A_74 = tpu.memref_slice %arg3[%dma_start3A_72, %dma_start3A_73] : memref<100000x128xf32, #tpu.memory_space<hbm>> -> memref<100000x128xf32, #tpu.memory_space<hbm>>
    %dma_start3A_75 = tpu.memref_slice %arg7[%dma_start3A_64] : memref<7x!tpu.dma_semaphore, #tpu.memory_space<semaphore_mem>> -> memref<1x!tpu.dma_semaphore, #tpu.memory_space<semaphore_mem>>
    %dma_start3A_76 = tpu.memref_squeeze %dma_start3A_75 : memref<1x!tpu.dma_semaphore, #tpu.memory_space<semaphore_mem>> -> memref<!tpu.dma_semaphore, #tpu.memory_space<semaphore_mem>>
    tpu.enqueue_indirect_dma source(%dma_start3A_74 : memref<100000x128xf32, #tpu.memory_space<hbm>>) target(%dma_start3A_68 : memref<128x128xf32, #tpu.memory_space<vmem>>) offsets(%dma_start3A_71 : memref<128xi32, #tpu.memory_space<vmem>>) semaphore(%dma_start3A_76 : memref<!tpu.dma_semaphore, #tpu.memory_space<semaphore_mem>>)
    %scan3A = arith.constant 0 : i32
    %scan3A_77 = arith.constant 0 : i32
    %scan3A_78 = arith.constant 8 : i32
    %scan3A_79 = arith.addi %scan3A_77, %scan3A_78 : i32
    %scan3A_80 = arith.constant 1 : i32
    scf.for %scan3A_82 = %scan3A_77 to %scan3A_79 step %scan3A_80  : i32 {
      %mul3A_83 = arith.constant 7 : i32
      %mul3A_84 = arith.muli %mul3A_83, %scan3A_82 : i32
      %add3A_85 = arith.constant 0 : i32
      %add3A_86 = arith.addi %mul3A_84, %add3A_85 : i32
      %ge3A = arith.constant 2 : i32
      %ge3A_87 = arith.cmpi sge, %add3A_86, %ge3A : i32
      %lt3A = arith.constant 52 : i32
      %lt3A_88 = arith.cmpi slt, %add3A_86, %lt3A : i32
      %and3A = arith.andi %ge3A_87, %lt3A_88 : i1
      %convert_element_type3A = arith.extui %and3A : i1 to i32
      %cond3A = arith.constant 0 : i32
      %cond3A_89 = arith.cmpi ne, %convert_element_type3A, %cond3A : i32
      scf.if %cond3A_89 {
        %sub3A = arith.constant 2 : i32
        %sub3A_246 = arith.subi %add3A_86, %sub3A : i32
        %dma_wait3A = arith.constant 5 : i32
        %dma_wait3A_247 = arith.constant 5 : i32
        %dma_wait3A_248 = arith.constant 0 : i32
        %dma_wait3A_249 = arith.constant 0 : i32
        %dma_wait3A_250 = tpu.memref_slice %arg6[%dma_wait3A, %dma_wait3A_248, %dma_wait3A_249] : memref<7x128x128xf32, #tpu.memory_space<vmem>> -> memref<1x128x128xf32, #tpu.memory_space<vmem>>
        %dma_wait3A_251 = tpu.memref_squeeze %dma_wait3A_250 : memref<1x128x128xf32, #tpu.memory_space<vmem>> -> memref<128x128xf32, #tpu.memory_space<vmem>>
        %dma_wait3A_252 = arith.constant 0 : i32
        %dma_wait3A_253 = arith.constant 0 : i32
        %dma_wait3A_254 = tpu.memref_slice %arg4[%sub3A_246, %dma_wait3A_252, %dma_wait3A_253] : memref<50x4096x128xf32, #tpu.memory_space<hbm>> -> memref<1x4096x128xf32, #tpu.memory_space<hbm>>
        %dma_wait3A_255 = tpu.memref_squeeze %dma_wait3A_254 : memref<1x4096x128xf32, #tpu.memory_space<hbm>> -> memref<4096x128xf32, #tpu.memory_space<hbm>>
        %dma_wait3A_256 = arith.constant 0 : i32
        %dma_wait3A_257 = tpu.memref_slice %dma_wait3A_255[%mul3A_2, %dma_wait3A_256] : memref<4096x128xf32, #tpu.memory_space<hbm>> -> memref<128x128xf32, #tpu.memory_space<hbm>>
        %dma_wait3A_258 = tpu.memref_slice %arg8[%dma_wait3A_247] : memref<7x!tpu.dma_semaphore, #tpu.memory_space<semaphore_mem>> -> memref<1x!tpu.dma_semaphore, #tpu.memory_space<semaphore_mem>>
        %dma_wait3A_259 = tpu.memref_squeeze %dma_wait3A_258 : memref<1x!tpu.dma_semaphore, #tpu.memory_space<semaphore_mem>> -> memref<!tpu.dma_semaphore, #tpu.memory_space<semaphore_mem>>
        %dma_wait3A_260 = arith.constant 0 : i32
        %dma_wait3A_261 = arith.constant 0 : i32
        %dma_wait3A_262 = tpu.memref_slice %arg4[%sub3A_246, %dma_wait3A_260, %dma_wait3A_261] : memref<50x4096x128xf32, #tpu.memory_space<hbm>> -> memref<1x4096x128xf32, #tpu.memory_space<hbm>>
        %dma_wait3A_263 = tpu.memref_squeeze %dma_wait3A_262 : memref<1x4096x128xf32, #tpu.memory_space<hbm>> -> memref<4096x128xf32, #tpu.memory_space<hbm>>
        %dma_wait3A_264 = arith.constant 0 : i32
        %dma_wait3A_265 = tpu.memref_slice %dma_wait3A_263[%mul3A_2, %dma_wait3A_264] : memref<4096x128xf32, #tpu.memory_space<hbm>> -> memref<128x128xf32, #tpu.memory_space<hbm>>
        %dma_wait3A_266 = arith.constant 0 : i32
        %dma_wait3A_267 = arith.constant 0 : i32
        %dma_wait3A_268 = tpu.memref_slice %arg6[%dma_wait3A, %dma_wait3A_266, %dma_wait3A_267] : memref<7x128x128xf32, #tpu.memory_space<vmem>> -> memref<1x128x128xf32, #tpu.memory_space<vmem>>
        %dma_wait3A_269 = tpu.memref_squeeze %dma_wait3A_268 : memref<1x128x128xf32, #tpu.memory_space<vmem>> -> memref<128x128xf32, #tpu.memory_space<vmem>>
        tpu.wait_dma2 semaphore(%dma_wait3A_259 : memref<!tpu.dma_semaphore, #tpu.memory_space<semaphore_mem>>) src(%dma_wait3A_269 : memref<128x128xf32, #tpu.memory_space<vmem>>) dst(%dma_wait3A_265 : memref<128x128xf32, #tpu.memory_space<hbm>>)
      } else {
      }
      %add3A_90 = arith.constant 5 : i32
      %add3A_91 = arith.addi %add3A_86, %add3A_90 : i32
      %lt3A_92 = arith.constant 50 : i32
      %lt3A_93 = arith.cmpi slt, %add3A_91, %lt3A_92 : i32
      %convert_element_type3A_94 = arith.extui %lt3A_93 : i1 to i32
      %cond3A_95 = arith.constant 0 : i32
      %cond3A_96 = arith.cmpi ne, %convert_element_type3A_94, %cond3A_95 : i32
      scf.if %cond3A_96 {
        %add3A_246 = arith.constant 5 : i32
        %add3A_247 = arith.addi %add3A_86, %add3A_246 : i32
        %dma_start3A_248 = arith.constant 5 : i32
        %dma_start3A_249 = arith.constant 5 : i32
        %dma_start3A_250 = arith.constant 0 : i32
        %dma_start3A_251 = arith.constant 0 : i32
        %dma_start3A_252 = tpu.memref_slice %arg6[%dma_start3A_248, %dma_start3A_250, %dma_start3A_251] : memref<7x128x128xf32, #tpu.memory_space<vmem>> -> memref<1x128x128xf32, #tpu.memory_space<vmem>>
        %dma_start3A_253 = tpu.memref_squeeze %dma_start3A_252 : memref<1x128x128xf32, #tpu.memory_space<vmem>> -> memref<128x128xf32, #tpu.memory_space<vmem>>
        %dma_start3A_254 = arith.constant 0 : i32
        %dma_start3A_255 = tpu.memref_slice %arg5[%add3A_247, %dma_start3A_254] : memref<50x128xi32, #tpu.memory_space<vmem>> -> memref<1x128xi32, #tpu.memory_space<vmem>>
        %dma_start3A_256 = tpu.memref_squeeze %dma_start3A_255 : memref<1x128xi32, #tpu.memory_space<vmem>> -> memref<128xi32, #tpu.memory_space<vmem>>
        %dma_start3A_257 = arith.constant 0 : i32
        %dma_start3A_258 = arith.constant 0 : i32
        %dma_start3A_259 = tpu.memref_slice %arg3[%dma_start3A_257, %dma_start3A_258] : memref<100000x128xf32, #tpu.memory_space<hbm>> -> memref<100000x128xf32, #tpu.memory_space<hbm>>
        %dma_start3A_260 = tpu.memref_slice %arg7[%dma_start3A_249] : memref<7x!tpu.dma_semaphore, #tpu.memory_space<semaphore_mem>> -> memref<1x!tpu.dma_semaphore, #tpu.memory_space<semaphore_mem>>
        %dma_start3A_261 = tpu.memref_squeeze %dma_start3A_260 : memref<1x!tpu.dma_semaphore, #tpu.memory_space<semaphore_mem>> -> memref<!tpu.dma_semaphore, #tpu.memory_space<semaphore_mem>>
        tpu.enqueue_indirect_dma source(%dma_start3A_259 : memref<100000x128xf32, #tpu.memory_space<hbm>>) target(%dma_start3A_253 : memref<128x128xf32, #tpu.memory_space<vmem>>) offsets(%dma_start3A_256 : memref<128xi32, #tpu.memory_space<vmem>>) semaphore(%dma_start3A_261 : memref<!tpu.dma_semaphore, #tpu.memory_space<semaphore_mem>>)
      } else {
      }
      %lt3A_97 = arith.constant 50 : i32
      %lt3A_98 = arith.cmpi slt, %add3A_86, %lt3A_97 : i32
      %convert_element_type3A_99 = arith.extui %lt3A_98 : i1 to i32
      %cond3A_100 = arith.constant 0 : i32
      %cond3A_101 = arith.cmpi ne, %convert_element_type3A_99, %cond3A_100 : i32
      scf.if %cond3A_101 {
        %dma_wait3A = arith.constant 0 : i32
        %dma_wait3A_246 = arith.constant 0 : i32
        %dma_wait3A_247 = arith.constant 0 : i32
        %dma_wait3A_248 = arith.constant 0 : i32
        %dma_wait3A_249 = tpu.memref_slice %arg6[%dma_wait3A, %dma_wait3A_247, %dma_wait3A_248] : memref<7x128x128xf32, #tpu.memory_space<vmem>> -> memref<1x128x128xf32, #tpu.memory_space<vmem>>
        %dma_wait3A_250 = tpu.memref_squeeze %dma_wait3A_249 : memref<1x128x128xf32, #tpu.memory_space<vmem>> -> memref<128x128xf32, #tpu.memory_space<vmem>>
        %dma_wait3A_251 = arith.constant 0 : i32
        %dma_wait3A_252 = tpu.memref_slice %arg5[%add3A_86, %dma_wait3A_251] : memref<50x128xi32, #tpu.memory_space<vmem>> -> memref<1x128xi32, #tpu.memory_space<vmem>>
        %dma_wait3A_253 = tpu.memref_squeeze %dma_wait3A_252 : memref<1x128xi32, #tpu.memory_space<vmem>> -> memref<128xi32, #tpu.memory_space<vmem>>
        %dma_wait3A_254 = arith.constant 0 : i32
        %dma_wait3A_255 = arith.constant 0 : i32
        %dma_wait3A_256 = tpu.memref_slice %arg3[%dma_wait3A_254, %dma_wait3A_255] : memref<100000x128xf32, #tpu.memory_space<hbm>> -> memref<100000x128xf32, #tpu.memory_space<hbm>>
        %dma_wait3A_257 = tpu.memref_slice %arg7[%dma_wait3A_246] : memref<7x!tpu.dma_semaphore, #tpu.memory_space<semaphore_mem>> -> memref<1x!tpu.dma_semaphore, #tpu.memory_space<semaphore_mem>>
        %dma_wait3A_258 = tpu.memref_squeeze %dma_wait3A_257 : memref<1x!tpu.dma_semaphore, #tpu.memory_space<semaphore_mem>> -> memref<!tpu.dma_semaphore, #tpu.memory_space<semaphore_mem>>
        tpu.wait_indirect_dma semaphore(%dma_wait3A_258 : memref<!tpu.dma_semaphore, #tpu.memory_space<semaphore_mem>>) src(%dma_wait3A_256 : memref<100000x128xf32, #tpu.memory_space<hbm>>) dst(%dma_wait3A_250 : memref<128x128xf32, #tpu.memory_space<vmem>>)
        %dma_start3A_259 = arith.constant 0 : i32
        %dma_start3A_260 = arith.constant 0 : i32
        %dma_start3A_261 = arith.constant 0 : i32
        %dma_start3A_262 = arith.constant 0 : i32
        %dma_start3A_263 = tpu.memref_slice %arg6[%dma_start3A_259, %dma_start3A_261, %dma_start3A_262] : memref<7x128x128xf32, #tpu.memory_space<vmem>> -> memref<1x128x128xf32, #tpu.memory_space<vmem>>
        %dma_start3A_264 = tpu.memref_squeeze %dma_start3A_263 : memref<1x128x128xf32, #tpu.memory_space<vmem>> -> memref<128x128xf32, #tpu.memory_space<vmem>>
        %dma_start3A_265 = arith.constant 0 : i32
        %dma_start3A_266 = arith.constant 0 : i32
        %dma_start3A_267 = tpu.memref_slice %arg4[%add3A_86, %dma_start3A_265, %dma_start3A_266] : memref<50x4096x128xf32, #tpu.memory_space<hbm>> -> memref<1x4096x128xf32, #tpu.memory_space<hbm>>
        %dma_start3A_268 = tpu.memref_squeeze %dma_start3A_267 : memref<1x4096x128xf32, #tpu.memory_space<hbm>> -> memref<4096x128xf32, #tpu.memory_space<hbm>>
        %dma_start3A_269 = arith.constant 0 : i32
        %dma_start3A_270 = tpu.memref_slice %dma_start3A_268[%mul3A_2, %dma_start3A_269] : memref<4096x128xf32, #tpu.memory_space<hbm>> -> memref<128x128xf32, #tpu.memory_space<hbm>>
        %dma_start3A_271 = tpu.memref_slice %arg8[%dma_start3A_260] : memref<7x!tpu.dma_semaphore, #tpu.memory_space<semaphore_mem>> -> memref<1x!tpu.dma_semaphore, #tpu.memory_space<semaphore_mem>>
        %dma_start3A_272 = tpu.memref_squeeze %dma_start3A_271 : memref<1x!tpu.dma_semaphore, #tpu.memory_space<semaphore_mem>> -> memref<!tpu.dma_semaphore, #tpu.memory_space<semaphore_mem>>
        %dma_start3A_273 = arith.constant 0 : i32
        %dma_start3A_274 = arith.constant 0 : i32
        %dma_start3A_275 = tpu.memref_slice %arg4[%add3A_86, %dma_start3A_273, %dma_start3A_274] : memref<50x4096x128xf32, #tpu.memory_space<hbm>> -> memref<1x4096x128xf32, #tpu.memory_space<hbm>>
        %dma_start3A_276 = tpu.memref_squeeze %dma_start3A_275 : memref<1x4096x128xf32, #tpu.memory_space<hbm>> -> memref<4096x128xf32, #tpu.memory_space<hbm>>
        %dma_start3A_277 = arith.constant 0 : i32
        %dma_start3A_278 = tpu.memref_slice %dma_start3A_276[%mul3A_2, %dma_start3A_277] : memref<4096x128xf32, #tpu.memory_space<hbm>> -> memref<128x128xf32, #tpu.memory_space<hbm>>
        %dma_start3A_279 = arith.constant 0 : i32
        %dma_start3A_280 = arith.constant 0 : i32
        %dma_start3A_281 = tpu.memref_slice %arg6[%dma_start3A_259, %dma_start3A_279, %dma_start3A_280] : memref<7x128x128xf32, #tpu.memory_space<vmem>> -> memref<1x128x128xf32, #tpu.memory_space<vmem>>
        %dma_start3A_282 = tpu.memref_squeeze %dma_start3A_281 : memref<1x128x128xf32, #tpu.memory_space<vmem>> -> memref<128x128xf32, #tpu.memory_space<vmem>>
        tpu.enqueue_dma source(%dma_start3A_282 : memref<128x128xf32, #tpu.memory_space<vmem>>) target(%dma_start3A_278 : memref<128x128xf32, #tpu.memory_space<hbm>>) target_semaphore(%dma_start3A_272 : memref<!tpu.dma_semaphore, #tpu.memory_space<semaphore_mem>>)
      } else {
      }
      %mul3A_102 = arith.constant 7 : i32
      %mul3A_103 = arith.muli %mul3A_102, %scan3A_82 : i32
      %add3A_104 = arith.constant 1 : i32
      %add3A_105 = arith.addi %mul3A_103, %add3A_104 : i32
      %ge3A_106 = arith.constant 2 : i32
      %ge3A_107 = arith.cmpi sge, %add3A_105, %ge3A_106 : i32
      %lt3A_108 = arith.constant 52 : i32
      %lt3A_109 = arith.cmpi slt, %add3A_105, %lt3A_108 : i32
      %and3A_110 = arith.andi %ge3A_107, %lt3A_109 : i1
      %convert_element_type3A_111 = arith.extui %and3A_110 : i1 to i32
      %cond3A_112 = arith.constant 0 : i32
      %cond3A_113 = arith.cmpi ne, %convert_element_type3A_111, %cond3A_112 : i32
      scf.if %cond3A_113 {
        %sub3A = arith.constant 2 : i32
        %sub3A_246 = arith.subi %add3A_105, %sub3A : i32
        %dma_wait3A = arith.constant 6 : i32
        %dma_wait3A_247 = arith.constant 6 : i32
        %dma_wait3A_248 = arith.constant 0 : i32
        %dma_wait3A_249 = arith.constant 0 : i32
        %dma_wait3A_250 = tpu.memref_slice %arg6[%dma_wait3A, %dma_wait3A_248, %dma_wait3A_249] : memref<7x128x128xf32, #tpu.memory_space<vmem>> -> memref<1x128x128xf32, #tpu.memory_space<vmem>>
        %dma_wait3A_251 = tpu.memref_squeeze %dma_wait3A_250 : memref<1x128x128xf32, #tpu.memory_space<vmem>> -> memref<128x128xf32, #tpu.memory_space<vmem>>
        %dma_wait3A_252 = arith.constant 0 : i32
        %dma_wait3A_253 = arith.constant 0 : i32
        %dma_wait3A_254 = tpu.memref_slice %arg4[%sub3A_246, %dma_wait3A_252, %dma_wait3A_253] : memref<50x4096x128xf32, #tpu.memory_space<hbm>> -> memref<1x4096x128xf32, #tpu.memory_space<hbm>>
        %dma_wait3A_255 = tpu.memref_squeeze %dma_wait3A_254 : memref<1x4096x128xf32, #tpu.memory_space<hbm>> -> memref<4096x128xf32, #tpu.memory_space<hbm>>
        %dma_wait3A_256 = arith.constant 0 : i32
        %dma_wait3A_257 = tpu.memref_slice %dma_wait3A_255[%mul3A_2, %dma_wait3A_256] : memref<4096x128xf32, #tpu.memory_space<hbm>> -> memref<128x128xf32, #tpu.memory_space<hbm>>
        %dma_wait3A_258 = tpu.memref_slice %arg8[%dma_wait3A_247] : memref<7x!tpu.dma_semaphore, #tpu.memory_space<semaphore_mem>> -> memref<1x!tpu.dma_semaphore, #tpu.memory_space<semaphore_mem>>
        %dma_wait3A_259 = tpu.memref_squeeze %dma_wait3A_258 : memref<1x!tpu.dma_semaphore, #tpu.memory_space<semaphore_mem>> -> memref<!tpu.dma_semaphore, #tpu.memory_space<semaphore_mem>>
        %dma_wait3A_260 = arith.constant 0 : i32
        %dma_wait3A_261 = arith.constant 0 : i32
        %dma_wait3A_262 = tpu.memref_slice %arg4[%sub3A_246, %dma_wait3A_260, %dma_wait3A_261] : memref<50x4096x128xf32, #tpu.memory_space<hbm>> -> memref<1x4096x128xf32, #tpu.memory_space<hbm>>
        %dma_wait3A_263 = tpu.memref_squeeze %dma_wait3A_262 : memref<1x4096x128xf32, #tpu.memory_space<hbm>> -> memref<4096x128xf32, #tpu.memory_space<hbm>>
        %dma_wait3A_264 = arith.constant 0 : i32
        %dma_wait3A_265 = tpu.memref_slice %dma_wait3A_263[%mul3A_2, %dma_wait3A_264] : memref<4096x128xf32, #tpu.memory_space<hbm>> -> memref<128x128xf32, #tpu.memory_space<hbm>>
        %dma_wait3A_266 = arith.constant 0 : i32
        %dma_wait3A_267 = arith.constant 0 : i32
        %dma_wait3A_268 = tpu.memref_slice %arg6[%dma_wait3A, %dma_wait3A_266, %dma_wait3A_267] : memref<7x128x128xf32, #tpu.memory_space<vmem>> -> memref<1x128x128xf32, #tpu.memory_space<vmem>>
        %dma_wait3A_269 = tpu.memref_squeeze %dma_wait3A_268 : memref<1x128x128xf32, #tpu.memory_space<vmem>> -> memref<128x128xf32, #tpu.memory_space<vmem>>
        tpu.wait_dma2 semaphore(%dma_wait3A_259 : memref<!tpu.dma_semaphore, #tpu.memory_space<semaphore_mem>>) src(%dma_wait3A_269 : memref<128x128xf32, #tpu.memory_space<vmem>>) dst(%dma_wait3A_265 : memref<128x128xf32, #tpu.memory_space<hbm>>)
      } else {
      }
      %add3A_114 = arith.constant 5 : i32
      %add3A_115 = arith.addi %add3A_105, %add3A_114 : i32
      %lt3A_116 = arith.constant 50 : i32
      %lt3A_117 = arith.cmpi slt, %add3A_115, %lt3A_116 : i32
      %convert_element_type3A_118 = arith.extui %lt3A_117 : i1 to i32
      %cond3A_119 = arith.constant 0 : i32
      %cond3A_120 = arith.cmpi ne, %convert_element_type3A_118, %cond3A_119 : i32
      scf.if %cond3A_120 {
        %add3A_246 = arith.constant 5 : i32
        %add3A_247 = arith.addi %add3A_105, %add3A_246 : i32
        %dma_start3A_248 = arith.constant 6 : i32
        %dma_start3A_249 = arith.constant 6 : i32
        %dma_start3A_250 = arith.constant 0 : i32
        %dma_start3A_251 = arith.constant 0 : i32
        %dma_start3A_252 = tpu.memref_slice %arg6[%dma_start3A_248, %dma_start3A_250, %dma_start3A_251] : memref<7x128x128xf32, #tpu.memory_space<vmem>> -> memref<1x128x128xf32, #tpu.memory_space<vmem>>
        %dma_start3A_253 = tpu.memref_squeeze %dma_start3A_252 : memref<1x128x128xf32, #tpu.memory_space<vmem>> -> memref<128x128xf32, #tpu.memory_space<vmem>>
        %dma_start3A_254 = arith.constant 0 : i32
        %dma_start3A_255 = tpu.memref_slice %arg5[%add3A_247, %dma_start3A_254] : memref<50x128xi32, #tpu.memory_space<vmem>> -> memref<1x128xi32, #tpu.memory_space<vmem>>
        %dma_start3A_256 = tpu.memref_squeeze %dma_start3A_255 : memref<1x128xi32, #tpu.memory_space<vmem>> -> memref<128xi32, #tpu.memory_space<vmem>>
        %dma_start3A_257 = arith.constant 0 : i32
        %dma_start3A_258 = arith.constant 0 : i32
        %dma_start3A_259 = tpu.memref_slice %arg3[%dma_start3A_257, %dma_start3A_258] : memref<100000x128xf32, #tpu.memory_space<hbm>> -> memref<100000x128xf32, #tpu.memory_space<hbm>>
        %dma_start3A_260 = tpu.memref_slice %arg7[%dma_start3A_249] : memref<7x!tpu.dma_semaphore, #tpu.memory_space<semaphore_mem>> -> memref<1x!tpu.dma_semaphore, #tpu.memory_space<semaphore_mem>>
        %dma_start3A_261 = tpu.memref_squeeze %dma_start3A_260 : memref<1x!tpu.dma_semaphore, #tpu.memory_space<semaphore_mem>> -> memref<!tpu.dma_semaphore, #tpu.memory_space<semaphore_mem>>
        tpu.enqueue_indirect_dma source(%dma_start3A_259 : memref<100000x128xf32, #tpu.memory_space<hbm>>) target(%dma_start3A_253 : memref<128x128xf32, #tpu.memory_space<vmem>>) offsets(%dma_start3A_256 : memref<128xi32, #tpu.memory_space<vmem>>) semaphore(%dma_start3A_261 : memref<!tpu.dma_semaphore, #tpu.memory_space<semaphore_mem>>)
      } else {
      }
      %lt3A_121 = arith.constant 50 : i32
      %lt3A_122 = arith.cmpi slt, %add3A_105, %lt3A_121 : i32
      %convert_element_type3A_123 = arith.extui %lt3A_122 : i1 to i32
      %cond3A_124 = arith.constant 0 : i32
      %cond3A_125 = arith.cmpi ne, %convert_element_type3A_123, %cond3A_124 : i32
      scf.if %cond3A_125 {
        %dma_wait3A = arith.constant 1 : i32
        %dma_wait3A_246 = arith.constant 1 : i32
        %dma_wait3A_247 = arith.constant 0 : i32
        %dma_wait3A_248 = arith.constant 0 : i32
        %dma_wait3A_249 = tpu.memref_slice %arg6[%dma_wait3A, %dma_wait3A_247, %dma_wait3A_248] : memref<7x128x128xf32, #tpu.memory_space<vmem>> -> memref<1x128x128xf32, #tpu.memory_space<vmem>>
        %dma_wait3A_250 = tpu.memref_squeeze %dma_wait3A_249 : memref<1x128x128xf32, #tpu.memory_space<vmem>> -> memref<128x128xf32, #tpu.memory_space<vmem>>
        %dma_wait3A_251 = arith.constant 0 : i32
        %dma_wait3A_252 = tpu.memref_slice %arg5[%add3A_105, %dma_wait3A_251] : memref<50x128xi32, #tpu.memory_space<vmem>> -> memref<1x128xi32, #tpu.memory_space<vmem>>
        %dma_wait3A_253 = tpu.memref_squeeze %dma_wait3A_252 : memref<1x128xi32, #tpu.memory_space<vmem>> -> memref<128xi32, #tpu.memory_space<vmem>>
        %dma_wait3A_254 = arith.constant 0 : i32
        %dma_wait3A_255 = arith.constant 0 : i32
        %dma_wait3A_256 = tpu.memref_slice %arg3[%dma_wait3A_254, %dma_wait3A_255] : memref<100000x128xf32, #tpu.memory_space<hbm>> -> memref<100000x128xf32, #tpu.memory_space<hbm>>
        %dma_wait3A_257 = tpu.memref_slice %arg7[%dma_wait3A_246] : memref<7x!tpu.dma_semaphore, #tpu.memory_space<semaphore_mem>> -> memref<1x!tpu.dma_semaphore, #tpu.memory_space<semaphore_mem>>
        %dma_wait3A_258 = tpu.memref_squeeze %dma_wait3A_257 : memref<1x!tpu.dma_semaphore, #tpu.memory_space<semaphore_mem>> -> memref<!tpu.dma_semaphore, #tpu.memory_space<semaphore_mem>>
        tpu.wait_indirect_dma semaphore(%dma_wait3A_258 : memref<!tpu.dma_semaphore, #tpu.memory_space<semaphore_mem>>) src(%dma_wait3A_256 : memref<100000x128xf32, #tpu.memory_space<hbm>>) dst(%dma_wait3A_250 : memref<128x128xf32, #tpu.memory_space<vmem>>)
        %dma_start3A_259 = arith.constant 1 : i32
        %dma_start3A_260 = arith.constant 1 : i32
        %dma_start3A_261 = arith.constant 0 : i32
        %dma_start3A_262 = arith.constant 0 : i32
        %dma_start3A_263 = tpu.memref_slice %arg6[%dma_start3A_259, %dma_start3A_261, %dma_start3A_262] : memref<7x128x128xf32, #tpu.memory_space<vmem>> -> memref<1x128x128xf32, #tpu.memory_space<vmem>>
        %dma_start3A_264 = tpu.memref_squeeze %dma_start3A_263 : memref<1x128x128xf32, #tpu.memory_space<vmem>> -> memref<128x128xf32, #tpu.memory_space<vmem>>
        %dma_start3A_265 = arith.constant 0 : i32
        %dma_start3A_266 = arith.constant 0 : i32
        %dma_start3A_267 = tpu.memref_slice %arg4[%add3A_105, %dma_start3A_265, %dma_start3A_266] : memref<50x4096x128xf32, #tpu.memory_space<hbm>> -> memref<1x4096x128xf32, #tpu.memory_space<hbm>>
        %dma_start3A_268 = tpu.memref_squeeze %dma_start3A_267 : memref<1x4096x128xf32, #tpu.memory_space<hbm>> -> memref<4096x128xf32, #tpu.memory_space<hbm>>
        %dma_start3A_269 = arith.constant 0 : i32
        %dma_start3A_270 = tpu.memref_slice %dma_start3A_268[%mul3A_2, %dma_start3A_269] : memref<4096x128xf32, #tpu.memory_space<hbm>> -> memref<128x128xf32, #tpu.memory_space<hbm>>
        %dma_start3A_271 = tpu.memref_slice %arg8[%dma_start3A_260] : memref<7x!tpu.dma_semaphore, #tpu.memory_space<semaphore_mem>> -> memref<1x!tpu.dma_semaphore, #tpu.memory_space<semaphore_mem>>
        %dma_start3A_272 = tpu.memref_squeeze %dma_start3A_271 : memref<1x!tpu.dma_semaphore, #tpu.memory_space<semaphore_mem>> -> memref<!tpu.dma_semaphore, #tpu.memory_space<semaphore_mem>>
        %dma_start3A_273 = arith.constant 0 : i32
        %dma_start3A_274 = arith.constant 0 : i32
        %dma_start3A_275 = tpu.memref_slice %arg4[%add3A_105, %dma_start3A_273, %dma_start3A_274] : memref<50x4096x128xf32, #tpu.memory_space<hbm>> -> memref<1x4096x128xf32, #tpu.memory_space<hbm>>
        %dma_start3A_276 = tpu.memref_squeeze %dma_start3A_275 : memref<1x4096x128xf32, #tpu.memory_space<hbm>> -> memref<4096x128xf32, #tpu.memory_space<hbm>>
        %dma_start3A_277 = arith.constant 0 : i32
        %dma_start3A_278 = tpu.memref_slice %dma_start3A_276[%mul3A_2, %dma_start3A_277] : memref<4096x128xf32, #tpu.memory_space<hbm>> -> memref<128x128xf32, #tpu.memory_space<hbm>>
        %dma_start3A_279 = arith.constant 0 : i32
        %dma_start3A_280 = arith.constant 0 : i32
        %dma_start3A_281 = tpu.memref_slice %arg6[%dma_start3A_259, %dma_start3A_279, %dma_start3A_280] : memref<7x128x128xf32, #tpu.memory_space<vmem>> -> memref<1x128x128xf32, #tpu.memory_space<vmem>>
        %dma_start3A_282 = tpu.memref_squeeze %dma_start3A_281 : memref<1x128x128xf32, #tpu.memory_space<vmem>> -> memref<128x128xf32, #tpu.memory_space<vmem>>
        tpu.enqueue_dma source(%dma_start3A_282 : memref<128x128xf32, #tpu.memory_space<vmem>>) target(%dma_start3A_278 : memref<128x128xf32, #tpu.memory_space<hbm>>) target_semaphore(%dma_start3A_272 : memref<!tpu.dma_semaphore, #tpu.memory_space<semaphore_mem>>)
      } else {
      }
      %mul3A_126 = arith.constant 7 : i32
      %mul3A_127 = arith.muli %mul3A_126, %scan3A_82 : i32
      %add3A_128 = arith.constant 2 : i32
      %add3A_129 = arith.addi %mul3A_127, %add3A_128 : i32
      %ge3A_130 = arith.constant 2 : i32
      %ge3A_131 = arith.cmpi sge, %add3A_129, %ge3A_130 : i32
      %lt3A_132 = arith.constant 52 : i32
      %lt3A_133 = arith.cmpi slt, %add3A_129, %lt3A_132 : i32
      %and3A_134 = arith.andi %ge3A_131, %lt3A_133 : i1
      %convert_element_type3A_135 = arith.extui %and3A_134 : i1 to i32
      %cond3A_136 = arith.constant 0 : i32
      %cond3A_137 = arith.cmpi ne, %convert_element_type3A_135, %cond3A_136 : i32
      scf.if %cond3A_137 {
        %sub3A = arith.constant 2 : i32
        %sub3A_246 = arith.subi %add3A_129, %sub3A : i32
        %dma_wait3A = arith.constant 0 : i32
        %dma_wait3A_247 = arith.constant 0 : i32
        %dma_wait3A_248 = arith.constant 0 : i32
        %dma_wait3A_249 = arith.constant 0 : i32
        %dma_wait3A_250 = tpu.memref_slice %arg6[%dma_wait3A, %dma_wait3A_248, %dma_wait3A_249] : memref<7x128x128xf32, #tpu.memory_space<vmem>> -> memref<1x128x128xf32, #tpu.memory_space<vmem>>
        %dma_wait3A_251 = tpu.memref_squeeze %dma_wait3A_250 : memref<1x128x128xf32, #tpu.memory_space<vmem>> -> memref<128x128xf32, #tpu.memory_space<vmem>>
        %dma_wait3A_252 = arith.constant 0 : i32
        %dma_wait3A_253 = arith.constant 0 : i32
        %dma_wait3A_254 = tpu.memref_slice %arg4[%sub3A_246, %dma_wait3A_252, %dma_wait3A_253] : memref<50x4096x128xf32, #tpu.memory_space<hbm>> -> memref<1x4096x128xf32, #tpu.memory_space<hbm>>
        %dma_wait3A_255 = tpu.memref_squeeze %dma_wait3A_254 : memref<1x4096x128xf32, #tpu.memory_space<hbm>> -> memref<4096x128xf32, #tpu.memory_space<hbm>>
        %dma_wait3A_256 = arith.constant 0 : i32
        %dma_wait3A_257 = tpu.memref_slice %dma_wait3A_255[%mul3A_2, %dma_wait3A_256] : memref<4096x128xf32, #tpu.memory_space<hbm>> -> memref<128x128xf32, #tpu.memory_space<hbm>>
        %dma_wait3A_258 = tpu.memref_slice %arg8[%dma_wait3A_247] : memref<7x!tpu.dma_semaphore, #tpu.memory_space<semaphore_mem>> -> memref<1x!tpu.dma_semaphore, #tpu.memory_space<semaphore_mem>>
        %dma_wait3A_259 = tpu.memref_squeeze %dma_wait3A_258 : memref<1x!tpu.dma_semaphore, #tpu.memory_space<semaphore_mem>> -> memref<!tpu.dma_semaphore, #tpu.memory_space<semaphore_mem>>
        %dma_wait3A_260 = arith.constant 0 : i32
        %dma_wait3A_261 = arith.constant 0 : i32
        %dma_wait3A_262 = tpu.memref_slice %arg4[%sub3A_246, %dma_wait3A_260, %dma_wait3A_261] : memref<50x4096x128xf32, #tpu.memory_space<hbm>> -> memref<1x4096x128xf32, #tpu.memory_space<hbm>>
        %dma_wait3A_263 = tpu.memref_squeeze %dma_wait3A_262 : memref<1x4096x128xf32, #tpu.memory_space<hbm>> -> memref<4096x128xf32, #tpu.memory_space<hbm>>
        %dma_wait3A_264 = arith.constant 0 : i32
        %dma_wait3A_265 = tpu.memref_slice %dma_wait3A_263[%mul3A_2, %dma_wait3A_264] : memref<4096x128xf32, #tpu.memory_space<hbm>> -> memref<128x128xf32, #tpu.memory_space<hbm>>
        %dma_wait3A_266 = arith.constant 0 : i32
        %dma_wait3A_267 = arith.constant 0 : i32
        %dma_wait3A_268 = tpu.memref_slice %arg6[%dma_wait3A, %dma_wait3A_266, %dma_wait3A_267] : memref<7x128x128xf32, #tpu.memory_space<vmem>> -> memref<1x128x128xf32, #tpu.memory_space<vmem>>
        %dma_wait3A_269 = tpu.memref_squeeze %dma_wait3A_268 : memref<1x128x128xf32, #tpu.memory_space<vmem>> -> memref<128x128xf32, #tpu.memory_space<vmem>>
        tpu.wait_dma2 semaphore(%dma_wait3A_259 : memref<!tpu.dma_semaphore, #tpu.memory_space<semaphore_mem>>) src(%dma_wait3A_269 : memref<128x128xf32, #tpu.memory_space<vmem>>) dst(%dma_wait3A_265 : memref<128x128xf32, #tpu.memory_space<hbm>>)
      } else {
      }
      %add3A_138 = arith.constant 5 : i32
      %add3A_139 = arith.addi %add3A_129, %add3A_138 : i32
      %lt3A_140 = arith.constant 50 : i32
      %lt3A_141 = arith.cmpi slt, %add3A_139, %lt3A_140 : i32
      %convert_element_type3A_142 = arith.extui %lt3A_141 : i1 to i32
      %cond3A_143 = arith.constant 0 : i32
      %cond3A_144 = arith.cmpi ne, %convert_element_type3A_142, %cond3A_143 : i32
      scf.if %cond3A_144 {
        %add3A_246 = arith.constant 5 : i32
        %add3A_247 = arith.addi %add3A_129, %add3A_246 : i32
        %dma_start3A_248 = arith.constant 0 : i32
        %dma_start3A_249 = arith.constant 0 : i32
        %dma_start3A_250 = arith.constant 0 : i32
        %dma_start3A_251 = arith.constant 0 : i32
        %dma_start3A_252 = tpu.memref_slice %arg6[%dma_start3A_248, %dma_start3A_250, %dma_start3A_251] : memref<7x128x128xf32, #tpu.memory_space<vmem>> -> memref<1x128x128xf32, #tpu.memory_space<vmem>>
        %dma_start3A_253 = tpu.memref_squeeze %dma_start3A_252 : memref<1x128x128xf32, #tpu.memory_space<vmem>> -> memref<128x128xf32, #tpu.memory_space<vmem>>
        %dma_start3A_254 = arith.constant 0 : i32
        %dma_start3A_255 = tpu.memref_slice %arg5[%add3A_247, %dma_start3A_254] : memref<50x128xi32, #tpu.memory_space<vmem>> -> memref<1x128xi32, #tpu.memory_space<vmem>>
        %dma_start3A_256 = tpu.memref_squeeze %dma_start3A_255 : memref<1x128xi32, #tpu.memory_space<vmem>> -> memref<128xi32, #tpu.memory_space<vmem>>
        %dma_start3A_257 = arith.constant 0 : i32
        %dma_start3A_258 = arith.constant 0 : i32
        %dma_start3A_259 = tpu.memref_slice %arg3[%dma_start3A_257, %dma_start3A_258] : memref<100000x128xf32, #tpu.memory_space<hbm>> -> memref<100000x128xf32, #tpu.memory_space<hbm>>
        %dma_start3A_260 = tpu.memref_slice %arg7[%dma_start3A_249] : memref<7x!tpu.dma_semaphore, #tpu.memory_space<semaphore_mem>> -> memref<1x!tpu.dma_semaphore, #tpu.memory_space<semaphore_mem>>
        %dma_start3A_261 = tpu.memref_squeeze %dma_start3A_260 : memref<1x!tpu.dma_semaphore, #tpu.memory_space<semaphore_mem>> -> memref<!tpu.dma_semaphore, #tpu.memory_space<semaphore_mem>>
        tpu.enqueue_indirect_dma source(%dma_start3A_259 : memref<100000x128xf32, #tpu.memory_space<hbm>>) target(%dma_start3A_253 : memref<128x128xf32, #tpu.memory_space<vmem>>) offsets(%dma_start3A_256 : memref<128xi32, #tpu.memory_space<vmem>>) semaphore(%dma_start3A_261 : memref<!tpu.dma_semaphore, #tpu.memory_space<semaphore_mem>>)
      } else {
      }
      %lt3A_145 = arith.constant 50 : i32
      %lt3A_146 = arith.cmpi slt, %add3A_129, %lt3A_145 : i32
      %convert_element_type3A_147 = arith.extui %lt3A_146 : i1 to i32
      %cond3A_148 = arith.constant 0 : i32
      %cond3A_149 = arith.cmpi ne, %convert_element_type3A_147, %cond3A_148 : i32
      scf.if %cond3A_149 {
        %dma_wait3A = arith.constant 2 : i32
        %dma_wait3A_246 = arith.constant 2 : i32
        %dma_wait3A_247 = arith.constant 0 : i32
        %dma_wait3A_248 = arith.constant 0 : i32
        %dma_wait3A_249 = tpu.memref_slice %arg6[%dma_wait3A, %dma_wait3A_247, %dma_wait3A_248] : memref<7x128x128xf32, #tpu.memory_space<vmem>> -> memref<1x128x128xf32, #tpu.memory_space<vmem>>
        %dma_wait3A_250 = tpu.memref_squeeze %dma_wait3A_249 : memref<1x128x128xf32, #tpu.memory_space<vmem>> -> memref<128x128xf32, #tpu.memory_space<vmem>>
        %dma_wait3A_251 = arith.constant 0 : i32
        %dma_wait3A_252 = tpu.memref_slice %arg5[%add3A_129, %dma_wait3A_251] : memref<50x128xi32, #tpu.memory_space<vmem>> -> memref<1x128xi32, #tpu.memory_space<vmem>>
        %dma_wait3A_253 = tpu.memref_squeeze %dma_wait3A_252 : memref<1x128xi32, #tpu.memory_space<vmem>> -> memref<128xi32, #tpu.memory_space<vmem>>
        %dma_wait3A_254 = arith.constant 0 : i32
        %dma_wait3A_255 = arith.constant 0 : i32
        %dma_wait3A_256 = tpu.memref_slice %arg3[%dma_wait3A_254, %dma_wait3A_255] : memref<100000x128xf32, #tpu.memory_space<hbm>> -> memref<100000x128xf32, #tpu.memory_space<hbm>>
        %dma_wait3A_257 = tpu.memref_slice %arg7[%dma_wait3A_246] : memref<7x!tpu.dma_semaphore, #tpu.memory_space<semaphore_mem>> -> memref<1x!tpu.dma_semaphore, #tpu.memory_space<semaphore_mem>>
        %dma_wait3A_258 = tpu.memref_squeeze %dma_wait3A_257 : memref<1x!tpu.dma_semaphore, #tpu.memory_space<semaphore_mem>> -> memref<!tpu.dma_semaphore, #tpu.memory_space<semaphore_mem>>
        tpu.wait_indirect_dma semaphore(%dma_wait3A_258 : memref<!tpu.dma_semaphore, #tpu.memory_space<semaphore_mem>>) src(%dma_wait3A_256 : memref<100000x128xf32, #tpu.memory_space<hbm>>) dst(%dma_wait3A_250 : memref<128x128xf32, #tpu.memory_space<vmem>>)
        %dma_start3A_259 = arith.constant 2 : i32
        %dma_start3A_260 = arith.constant 2 : i32
        %dma_start3A_261 = arith.constant 0 : i32
        %dma_start3A_262 = arith.constant 0 : i32
        %dma_start3A_263 = tpu.memref_slice %arg6[%dma_start3A_259, %dma_start3A_261, %dma_start3A_262] : memref<7x128x128xf32, #tpu.memory_space<vmem>> -> memref<1x128x128xf32, #tpu.memory_space<vmem>>
        %dma_start3A_264 = tpu.memref_squeeze %dma_start3A_263 : memref<1x128x128xf32, #tpu.memory_space<vmem>> -> memref<128x128xf32, #tpu.memory_space<vmem>>
        %dma_start3A_265 = arith.constant 0 : i32
        %dma_start3A_266 = arith.constant 0 : i32
        %dma_start3A_267 = tpu.memref_slice %arg4[%add3A_129, %dma_start3A_265, %dma_start3A_266] : memref<50x4096x128xf32, #tpu.memory_space<hbm>> -> memref<1x4096x128xf32, #tpu.memory_space<hbm>>
        %dma_start3A_268 = tpu.memref_squeeze %dma_start3A_267 : memref<1x4096x128xf32, #tpu.memory_space<hbm>> -> memref<4096x128xf32, #tpu.memory_space<hbm>>
        %dma_start3A_269 = arith.constant 0 : i32
        %dma_start3A_270 = tpu.memref_slice %dma_start3A_268[%mul3A_2, %dma_start3A_269] : memref<4096x128xf32, #tpu.memory_space<hbm>> -> memref<128x128xf32, #tpu.memory_space<hbm>>
        %dma_start3A_271 = tpu.memref_slice %arg8[%dma_start3A_260] : memref<7x!tpu.dma_semaphore, #tpu.memory_space<semaphore_mem>> -> memref<1x!tpu.dma_semaphore, #tpu.memory_space<semaphore_mem>>
        %dma_start3A_272 = tpu.memref_squeeze %dma_start3A_271 : memref<1x!tpu.dma_semaphore, #tpu.memory_space<semaphore_mem>> -> memref<!tpu.dma_semaphore, #tpu.memory_space<semaphore_mem>>
        %dma_start3A_273 = arith.constant 0 : i32
        %dma_start3A_274 = arith.constant 0 : i32
        %dma_start3A_275 = tpu.memref_slice %arg4[%add3A_129, %dma_start3A_273, %dma_start3A_274] : memref<50x4096x128xf32, #tpu.memory_space<hbm>> -> memref<1x4096x128xf32, #tpu.memory_space<hbm>>
        %dma_start3A_276 = tpu.memref_squeeze %dma_start3A_275 : memref<1x4096x128xf32, #tpu.memory_space<hbm>> -> memref<4096x128xf32, #tpu.memory_space<hbm>>
        %dma_start3A_277 = arith.constant 0 : i32
        %dma_start3A_278 = tpu.memref_slice %dma_start3A_276[%mul3A_2, %dma_start3A_277] : memref<4096x128xf32, #tpu.memory_space<hbm>> -> memref<128x128xf32, #tpu.memory_space<hbm>>
        %dma_start3A_279 = arith.constant 0 : i32
        %dma_start3A_280 = arith.constant 0 : i32
        %dma_start3A_281 = tpu.memref_slice %arg6[%dma_start3A_259, %dma_start3A_279, %dma_start3A_280] : memref<7x128x128xf32, #tpu.memory_space<vmem>> -> memref<1x128x128xf32, #tpu.memory_space<vmem>>
        %dma_start3A_282 = tpu.memref_squeeze %dma_start3A_281 : memref<1x128x128xf32, #tpu.memory_space<vmem>> -> memref<128x128xf32, #tpu.memory_space<vmem>>
        tpu.enqueue_dma source(%dma_start3A_282 : memref<128x128xf32, #tpu.memory_space<vmem>>) target(%dma_start3A_278 : memref<128x128xf32, #tpu.memory_space<hbm>>) target_semaphore(%dma_start3A_272 : memref<!tpu.dma_semaphore, #tpu.memory_space<semaphore_mem>>)
      } else {
      }
      %mul3A_150 = arith.constant 7 : i32
      %mul3A_151 = arith.muli %mul3A_150, %scan3A_82 : i32
      %add3A_152 = arith.constant 3 : i32
      %add3A_153 = arith.addi %mul3A_151, %add3A_152 : i32
      %ge3A_154 = arith.constant 2 : i32
      %ge3A_155 = arith.cmpi sge, %add3A_153, %ge3A_154 : i32
      %lt3A_156 = arith.constant 52 : i32
      %lt3A_157 = arith.cmpi slt, %add3A_153, %lt3A_156 : i32
      %and3A_158 = arith.andi %ge3A_155, %lt3A_157 : i1
      %convert_element_type3A_159 = arith.extui %and3A_158 : i1 to i32
      %cond3A_160 = arith.constant 0 : i32
      %cond3A_161 = arith.cmpi ne, %convert_element_type3A_159, %cond3A_160 : i32
      scf.if %cond3A_161 {
        %sub3A = arith.constant 2 : i32
        %sub3A_246 = arith.subi %add3A_153, %sub3A : i32
        %dma_wait3A = arith.constant 1 : i32
        %dma_wait3A_247 = arith.constant 1 : i32
        %dma_wait3A_248 = arith.constant 0 : i32
        %dma_wait3A_249 = arith.constant 0 : i32
        %dma_wait3A_250 = tpu.memref_slice %arg6[%dma_wait3A, %dma_wait3A_248, %dma_wait3A_249] : memref<7x128x128xf32, #tpu.memory_space<vmem>> -> memref<1x128x128xf32, #tpu.memory_space<vmem>>
        %dma_wait3A_251 = tpu.memref_squeeze %dma_wait3A_250 : memref<1x128x128xf32, #tpu.memory_space<vmem>> -> memref<128x128xf32, #tpu.memory_space<vmem>>
        %dma_wait3A_252 = arith.constant 0 : i32
        %dma_wait3A_253 = arith.constant 0 : i32
        %dma_wait3A_254 = tpu.memref_slice %arg4[%sub3A_246, %dma_wait3A_252, %dma_wait3A_253] : memref<50x4096x128xf32, #tpu.memory_space<hbm>> -> memref<1x4096x128xf32, #tpu.memory_space<hbm>>
        %dma_wait3A_255 = tpu.memref_squeeze %dma_wait3A_254 : memref<1x4096x128xf32, #tpu.memory_space<hbm>> -> memref<4096x128xf32, #tpu.memory_space<hbm>>
        %dma_wait3A_256 = arith.constant 0 : i32
        %dma_wait3A_257 = tpu.memref_slice %dma_wait3A_255[%mul3A_2, %dma_wait3A_256] : memref<4096x128xf32, #tpu.memory_space<hbm>> -> memref<128x128xf32, #tpu.memory_space<hbm>>
        %dma_wait3A_258 = tpu.memref_slice %arg8[%dma_wait3A_247] : memref<7x!tpu.dma_semaphore, #tpu.memory_space<semaphore_mem>> -> memref<1x!tpu.dma_semaphore, #tpu.memory_space<semaphore_mem>>
        %dma_wait3A_259 = tpu.memref_squeeze %dma_wait3A_258 : memref<1x!tpu.dma_semaphore, #tpu.memory_space<semaphore_mem>> -> memref<!tpu.dma_semaphore, #tpu.memory_space<semaphore_mem>>
        %dma_wait3A_260 = arith.constant 0 : i32
        %dma_wait3A_261 = arith.constant 0 : i32
        %dma_wait3A_262 = tpu.memref_slice %arg4[%sub3A_246, %dma_wait3A_260, %dma_wait3A_261] : memref<50x4096x128xf32, #tpu.memory_space<hbm>> -> memref<1x4096x128xf32, #tpu.memory_space<hbm>>
        %dma_wait3A_263 = tpu.memref_squeeze %dma_wait3A_262 : memref<1x4096x128xf32, #tpu.memory_space<hbm>> -> memref<4096x128xf32, #tpu.memory_space<hbm>>
        %dma_wait3A_264 = arith.constant 0 : i32
        %dma_wait3A_265 = tpu.memref_slice %dma_wait3A_263[%mul3A_2, %dma_wait3A_264] : memref<4096x128xf32, #tpu.memory_space<hbm>> -> memref<128x128xf32, #tpu.memory_space<hbm>>
        %dma_wait3A_266 = arith.constant 0 : i32
        %dma_wait3A_267 = arith.constant 0 : i32
        %dma_wait3A_268 = tpu.memref_slice %arg6[%dma_wait3A, %dma_wait3A_266, %dma_wait3A_267] : memref<7x128x128xf32, #tpu.memory_space<vmem>> -> memref<1x128x128xf32, #tpu.memory_space<vmem>>
        %dma_wait3A_269 = tpu.memref_squeeze %dma_wait3A_268 : memref<1x128x128xf32, #tpu.memory_space<vmem>> -> memref<128x128xf32, #tpu.memory_space<vmem>>
        tpu.wait_dma2 semaphore(%dma_wait3A_259 : memref<!tpu.dma_semaphore, #tpu.memory_space<semaphore_mem>>) src(%dma_wait3A_269 : memref<128x128xf32, #tpu.memory_space<vmem>>) dst(%dma_wait3A_265 : memref<128x128xf32, #tpu.memory_space<hbm>>)
      } else {
      }
      %add3A_162 = arith.constant 5 : i32
      %add3A_163 = arith.addi %add3A_153, %add3A_162 : i32
      %lt3A_164 = arith.constant 50 : i32
      %lt3A_165 = arith.cmpi slt, %add3A_163, %lt3A_164 : i32
      %convert_element_type3A_166 = arith.extui %lt3A_165 : i1 to i32
      %cond3A_167 = arith.constant 0 : i32
      %cond3A_168 = arith.cmpi ne, %convert_element_type3A_166, %cond3A_167 : i32
      scf.if %cond3A_168 {
        %add3A_246 = arith.constant 5 : i32
        %add3A_247 = arith.addi %add3A_153, %add3A_246 : i32
        %dma_start3A_248 = arith.constant 1 : i32
        %dma_start3A_249 = arith.constant 1 : i32
        %dma_start3A_250 = arith.constant 0 : i32
        %dma_start3A_251 = arith.constant 0 : i32
        %dma_start3A_252 = tpu.memref_slice %arg6[%dma_start3A_248, %dma_start3A_250, %dma_start3A_251] : memref<7x128x128xf32, #tpu.memory_space<vmem>> -> memref<1x128x128xf32, #tpu.memory_space<vmem>>
        %dma_start3A_253 = tpu.memref_squeeze %dma_start3A_252 : memref<1x128x128xf32, #tpu.memory_space<vmem>> -> memref<128x128xf32, #tpu.memory_space<vmem>>
        %dma_start3A_254 = arith.constant 0 : i32
        %dma_start3A_255 = tpu.memref_slice %arg5[%add3A_247, %dma_start3A_254] : memref<50x128xi32, #tpu.memory_space<vmem>> -> memref<1x128xi32, #tpu.memory_space<vmem>>
        %dma_start3A_256 = tpu.memref_squeeze %dma_start3A_255 : memref<1x128xi32, #tpu.memory_space<vmem>> -> memref<128xi32, #tpu.memory_space<vmem>>
        %dma_start3A_257 = arith.constant 0 : i32
        %dma_start3A_258 = arith.constant 0 : i32
        %dma_start3A_259 = tpu.memref_slice %arg3[%dma_start3A_257, %dma_start3A_258] : memref<100000x128xf32, #tpu.memory_space<hbm>> -> memref<100000x128xf32, #tpu.memory_space<hbm>>
        %dma_start3A_260 = tpu.memref_slice %arg7[%dma_start3A_249] : memref<7x!tpu.dma_semaphore, #tpu.memory_space<semaphore_mem>> -> memref<1x!tpu.dma_semaphore, #tpu.memory_space<semaphore_mem>>
        %dma_start3A_261 = tpu.memref_squeeze %dma_start3A_260 : memref<1x!tpu.dma_semaphore, #tpu.memory_space<semaphore_mem>> -> memref<!tpu.dma_semaphore, #tpu.memory_space<semaphore_mem>>
        tpu.enqueue_indirect_dma source(%dma_start3A_259 : memref<100000x128xf32, #tpu.memory_space<hbm>>) target(%dma_start3A_253 : memref<128x128xf32, #tpu.memory_space<vmem>>) offsets(%dma_start3A_256 : memref<128xi32, #tpu.memory_space<vmem>>) semaphore(%dma_start3A_261 : memref<!tpu.dma_semaphore, #tpu.memory_space<semaphore_mem>>)
      } else {
      }
      %lt3A_169 = arith.constant 50 : i32
      %lt3A_170 = arith.cmpi slt, %add3A_153, %lt3A_169 : i32
      %convert_element_type3A_171 = arith.extui %lt3A_170 : i1 to i32
      %cond3A_172 = arith.constant 0 : i32
      %cond3A_173 = arith.cmpi ne, %convert_element_type3A_171, %cond3A_172 : i32
      scf.if %cond3A_173 {
        %dma_wait3A = arith.constant 3 : i32
        %dma_wait3A_246 = arith.constant 3 : i32
        %dma_wait3A_247 = arith.constant 0 : i32
        %dma_wait3A_248 = arith.constant 0 : i32
        %dma_wait3A_249 = tpu.memref_slice %arg6[%dma_wait3A, %dma_wait3A_247, %dma_wait3A_248] : memref<7x128x128xf32, #tpu.memory_space<vmem>> -> memref<1x128x128xf32, #tpu.memory_space<vmem>>
        %dma_wait3A_250 = tpu.memref_squeeze %dma_wait3A_249 : memref<1x128x128xf32, #tpu.memory_space<vmem>> -> memref<128x128xf32, #tpu.memory_space<vmem>>
        %dma_wait3A_251 = arith.constant 0 : i32
        %dma_wait3A_252 = tpu.memref_slice %arg5[%add3A_153, %dma_wait3A_251] : memref<50x128xi32, #tpu.memory_space<vmem>> -> memref<1x128xi32, #tpu.memory_space<vmem>>
        %dma_wait3A_253 = tpu.memref_squeeze %dma_wait3A_252 : memref<1x128xi32, #tpu.memory_space<vmem>> -> memref<128xi32, #tpu.memory_space<vmem>>
        %dma_wait3A_254 = arith.constant 0 : i32
        %dma_wait3A_255 = arith.constant 0 : i32
        %dma_wait3A_256 = tpu.memref_slice %arg3[%dma_wait3A_254, %dma_wait3A_255] : memref<100000x128xf32, #tpu.memory_space<hbm>> -> memref<100000x128xf32, #tpu.memory_space<hbm>>
        %dma_wait3A_257 = tpu.memref_slice %arg7[%dma_wait3A_246] : memref<7x!tpu.dma_semaphore, #tpu.memory_space<semaphore_mem>> -> memref<1x!tpu.dma_semaphore, #tpu.memory_space<semaphore_mem>>
        %dma_wait3A_258 = tpu.memref_squeeze %dma_wait3A_257 : memref<1x!tpu.dma_semaphore, #tpu.memory_space<semaphore_mem>> -> memref<!tpu.dma_semaphore, #tpu.memory_space<semaphore_mem>>
        tpu.wait_indirect_dma semaphore(%dma_wait3A_258 : memref<!tpu.dma_semaphore, #tpu.memory_space<semaphore_mem>>) src(%dma_wait3A_256 : memref<100000x128xf32, #tpu.memory_space<hbm>>) dst(%dma_wait3A_250 : memref<128x128xf32, #tpu.memory_space<vmem>>)
        %dma_start3A_259 = arith.constant 3 : i32
        %dma_start3A_260 = arith.constant 3 : i32
        %dma_start3A_261 = arith.constant 0 : i32
        %dma_start3A_262 = arith.constant 0 : i32
        %dma_start3A_263 = tpu.memref_slice %arg6[%dma_start3A_259, %dma_start3A_261, %dma_start3A_262] : memref<7x128x128xf32, #tpu.memory_space<vmem>> -> memref<1x128x128xf32, #tpu.memory_space<vmem>>
        %dma_start3A_264 = tpu.memref_squeeze %dma_start3A_263 : memref<1x128x128xf32, #tpu.memory_space<vmem>> -> memref<128x128xf32, #tpu.memory_space<vmem>>
        %dma_start3A_265 = arith.constant 0 : i32
        %dma_start3A_266 = arith.constant 0 : i32
        %dma_start3A_267 = tpu.memref_slice %arg4[%add3A_153, %dma_start3A_265, %dma_start3A_266] : memref<50x4096x128xf32, #tpu.memory_space<hbm>> -> memref<1x4096x128xf32, #tpu.memory_space<hbm>>
        %dma_start3A_268 = tpu.memref_squeeze %dma_start3A_267 : memref<1x4096x128xf32, #tpu.memory_space<hbm>> -> memref<4096x128xf32, #tpu.memory_space<hbm>>
        %dma_start3A_269 = arith.constant 0 : i32
        %dma_start3A_270 = tpu.memref_slice %dma_start3A_268[%mul3A_2, %dma_start3A_269] : memref<4096x128xf32, #tpu.memory_space<hbm>> -> memref<128x128xf32, #tpu.memory_space<hbm>>
        %dma_start3A_271 = tpu.memref_slice %arg8[%dma_start3A_260] : memref<7x!tpu.dma_semaphore, #tpu.memory_space<semaphore_mem>> -> memref<1x!tpu.dma_semaphore, #tpu.memory_space<semaphore_mem>>
        %dma_start3A_272 = tpu.memref_squeeze %dma_start3A_271 : memref<1x!tpu.dma_semaphore, #tpu.memory_space<semaphore_mem>> -> memref<!tpu.dma_semaphore, #tpu.memory_space<semaphore_mem>>
        %dma_start3A_273 = arith.constant 0 : i32
        %dma_start3A_274 = arith.constant 0 : i32
        %dma_start3A_275 = tpu.memref_slice %arg4[%add3A_153, %dma_start3A_273, %dma_start3A_274] : memref<50x4096x128xf32, #tpu.memory_space<hbm>> -> memref<1x4096x128xf32, #tpu.memory_space<hbm>>
        %dma_start3A_276 = tpu.memref_squeeze %dma_start3A_275 : memref<1x4096x128xf32, #tpu.memory_space<hbm>> -> memref<4096x128xf32, #tpu.memory_space<hbm>>
        %dma_start3A_277 = arith.constant 0 : i32
        %dma_start3A_278 = tpu.memref_slice %dma_start3A_276[%mul3A_2, %dma_start3A_277] : memref<4096x128xf32, #tpu.memory_space<hbm>> -> memref<128x128xf32, #tpu.memory_space<hbm>>
        %dma_start3A_279 = arith.constant 0 : i32
        %dma_start3A_280 = arith.constant 0 : i32
        %dma_start3A_281 = tpu.memref_slice %arg6[%dma_start3A_259, %dma_start3A_279, %dma_start3A_280] : memref<7x128x128xf32, #tpu.memory_space<vmem>> -> memref<1x128x128xf32, #tpu.memory_space<vmem>>
        %dma_start3A_282 = tpu.memref_squeeze %dma_start3A_281 : memref<1x128x128xf32, #tpu.memory_space<vmem>> -> memref<128x128xf32, #tpu.memory_space<vmem>>
        tpu.enqueue_dma source(%dma_start3A_282 : memref<128x128xf32, #tpu.memory_space<vmem>>) target(%dma_start3A_278 : memref<128x128xf32, #tpu.memory_space<hbm>>) target_semaphore(%dma_start3A_272 : memref<!tpu.dma_semaphore, #tpu.memory_space<semaphore_mem>>)
      } else {
      }
      %mul3A_174 = arith.constant 7 : i32
      %mul3A_175 = arith.muli %mul3A_174, %scan3A_82 : i32
      %add3A_176 = arith.constant 4 : i32
      %add3A_177 = arith.addi %mul3A_175, %add3A_176 : i32
      %ge3A_178 = arith.constant 2 : i32
      %ge3A_179 = arith.cmpi sge, %add3A_177, %ge3A_178 : i32
      %lt3A_180 = arith.constant 52 : i32
      %lt3A_181 = arith.cmpi slt, %add3A_177, %lt3A_180 : i32
      %and3A_182 = arith.andi %ge3A_179, %lt3A_181 : i1
      %convert_element_type3A_183 = arith.extui %and3A_182 : i1 to i32
      %cond3A_184 = arith.constant 0 : i32
      %cond3A_185 = arith.cmpi ne, %convert_element_type3A_183, %cond3A_184 : i32
      scf.if %cond3A_185 {
        %sub3A = arith.constant 2 : i32
        %sub3A_246 = arith.subi %add3A_177, %sub3A : i32
        %dma_wait3A = arith.constant 2 : i32
        %dma_wait3A_247 = arith.constant 2 : i32
        %dma_wait3A_248 = arith.constant 0 : i32
        %dma_wait3A_249 = arith.constant 0 : i32
        %dma_wait3A_250 = tpu.memref_slice %arg6[%dma_wait3A, %dma_wait3A_248, %dma_wait3A_249] : memref<7x128x128xf32, #tpu.memory_space<vmem>> -> memref<1x128x128xf32, #tpu.memory_space<vmem>>
        %dma_wait3A_251 = tpu.memref_squeeze %dma_wait3A_250 : memref<1x128x128xf32, #tpu.memory_space<vmem>> -> memref<128x128xf32, #tpu.memory_space<vmem>>
        %dma_wait3A_252 = arith.constant 0 : i32
        %dma_wait3A_253 = arith.constant 0 : i32
        %dma_wait3A_254 = tpu.memref_slice %arg4[%sub3A_246, %dma_wait3A_252, %dma_wait3A_253] : memref<50x4096x128xf32, #tpu.memory_space<hbm>> -> memref<1x4096x128xf32, #tpu.memory_space<hbm>>
        %dma_wait3A_255 = tpu.memref_squeeze %dma_wait3A_254 : memref<1x4096x128xf32, #tpu.memory_space<hbm>> -> memref<4096x128xf32, #tpu.memory_space<hbm>>
        %dma_wait3A_256 = arith.constant 0 : i32
        %dma_wait3A_257 = tpu.memref_slice %dma_wait3A_255[%mul3A_2, %dma_wait3A_256] : memref<4096x128xf32, #tpu.memory_space<hbm>> -> memref<128x128xf32, #tpu.memory_space<hbm>>
        %dma_wait3A_258 = tpu.memref_slice %arg8[%dma_wait3A_247] : memref<7x!tpu.dma_semaphore, #tpu.memory_space<semaphore_mem>> -> memref<1x!tpu.dma_semaphore, #tpu.memory_space<semaphore_mem>>
        %dma_wait3A_259 = tpu.memref_squeeze %dma_wait3A_258 : memref<1x!tpu.dma_semaphore, #tpu.memory_space<semaphore_mem>> -> memref<!tpu.dma_semaphore, #tpu.memory_space<semaphore_mem>>
        %dma_wait3A_260 = arith.constant 0 : i32
        %dma_wait3A_261 = arith.constant 0 : i32
        %dma_wait3A_262 = tpu.memref_slice %arg4[%sub3A_246, %dma_wait3A_260, %dma_wait3A_261] : memref<50x4096x128xf32, #tpu.memory_space<hbm>> -> memref<1x4096x128xf32, #tpu.memory_space<hbm>>
        %dma_wait3A_263 = tpu.memref_squeeze %dma_wait3A_262 : memref<1x4096x128xf32, #tpu.memory_space<hbm>> -> memref<4096x128xf32, #tpu.memory_space<hbm>>
        %dma_wait3A_264 = arith.constant 0 : i32
        %dma_wait3A_265 = tpu.memref_slice %dma_wait3A_263[%mul3A_2, %dma_wait3A_264] : memref<4096x128xf32, #tpu.memory_space<hbm>> -> memref<128x128xf32, #tpu.memory_space<hbm>>
        %dma_wait3A_266 = arith.constant 0 : i32
        %dma_wait3A_267 = arith.constant 0 : i32
        %dma_wait3A_268 = tpu.memref_slice %arg6[%dma_wait3A, %dma_wait3A_266, %dma_wait3A_267] : memref<7x128x128xf32, #tpu.memory_space<vmem>> -> memref<1x128x128xf32, #tpu.memory_space<vmem>>
        %dma_wait3A_269 = tpu.memref_squeeze %dma_wait3A_268 : memref<1x128x128xf32, #tpu.memory_space<vmem>> -> memref<128x128xf32, #tpu.memory_space<vmem>>
        tpu.wait_dma2 semaphore(%dma_wait3A_259 : memref<!tpu.dma_semaphore, #tpu.memory_space<semaphore_mem>>) src(%dma_wait3A_269 : memref<128x128xf32, #tpu.memory_space<vmem>>) dst(%dma_wait3A_265 : memref<128x128xf32, #tpu.memory_space<hbm>>)
      } else {
      }
      %add3A_186 = arith.constant 5 : i32
      %add3A_187 = arith.addi %add3A_177, %add3A_186 : i32
      %lt3A_188 = arith.constant 50 : i32
      %lt3A_189 = arith.cmpi slt, %add3A_187, %lt3A_188 : i32
      %convert_element_type3A_190 = arith.extui %lt3A_189 : i1 to i32
      %cond3A_191 = arith.constant 0 : i32
      %cond3A_192 = arith.cmpi ne, %convert_element_type3A_190, %cond3A_191 : i32
      scf.if %cond3A_192 {
        %add3A_246 = arith.constant 5 : i32
        %add3A_247 = arith.addi %add3A_177, %add3A_246 : i32
        %dma_start3A_248 = arith.constant 2 : i32
        %dma_start3A_249 = arith.constant 2 : i32
        %dma_start3A_250 = arith.constant 0 : i32
        %dma_start3A_251 = arith.constant 0 : i32
        %dma_start3A_252 = tpu.memref_slice %arg6[%dma_start3A_248, %dma_start3A_250, %dma_start3A_251] : memref<7x128x128xf32, #tpu.memory_space<vmem>> -> memref<1x128x128xf32, #tpu.memory_space<vmem>>
        %dma_start3A_253 = tpu.memref_squeeze %dma_start3A_252 : memref<1x128x128xf32, #tpu.memory_space<vmem>> -> memref<128x128xf32, #tpu.memory_space<vmem>>
        %dma_start3A_254 = arith.constant 0 : i32
        %dma_start3A_255 = tpu.memref_slice %arg5[%add3A_247, %dma_start3A_254] : memref<50x128xi32, #tpu.memory_space<vmem>> -> memref<1x128xi32, #tpu.memory_space<vmem>>
        %dma_start3A_256 = tpu.memref_squeeze %dma_start3A_255 : memref<1x128xi32, #tpu.memory_space<vmem>> -> memref<128xi32, #tpu.memory_space<vmem>>
        %dma_start3A_257 = arith.constant 0 : i32
        %dma_start3A_258 = arith.constant 0 : i32
        %dma_start3A_259 = tpu.memref_slice %arg3[%dma_start3A_257, %dma_start3A_258] : memref<100000x128xf32, #tpu.memory_space<hbm>> -> memref<100000x128xf32, #tpu.memory_space<hbm>>
        %dma_start3A_260 = tpu.memref_slice %arg7[%dma_start3A_249] : memref<7x!tpu.dma_semaphore, #tpu.memory_space<semaphore_mem>> -> memref<1x!tpu.dma_semaphore, #tpu.memory_space<semaphore_mem>>
        %dma_start3A_261 = tpu.memref_squeeze %dma_start3A_260 : memref<1x!tpu.dma_semaphore, #tpu.memory_space<semaphore_mem>> -> memref<!tpu.dma_semaphore, #tpu.memory_space<semaphore_mem>>
        tpu.enqueue_indirect_dma source(%dma_start3A_259 : memref<100000x128xf32, #tpu.memory_space<hbm>>) target(%dma_start3A_253 : memref<128x128xf32, #tpu.memory_space<vmem>>) offsets(%dma_start3A_256 : memref<128xi32, #tpu.memory_space<vmem>>) semaphore(%dma_start3A_261 : memref<!tpu.dma_semaphore, #tpu.memory_space<semaphore_mem>>)
      } else {
      }
      %lt3A_193 = arith.constant 50 : i32
      %lt3A_194 = arith.cmpi slt, %add3A_177, %lt3A_193 : i32
      %convert_element_type3A_195 = arith.extui %lt3A_194 : i1 to i32
      %cond3A_196 = arith.constant 0 : i32
      %cond3A_197 = arith.cmpi ne, %convert_element_type3A_195, %cond3A_196 : i32
      scf.if %cond3A_197 {
        %dma_wait3A = arith.constant 4 : i32
        %dma_wait3A_246 = arith.constant 4 : i32
        %dma_wait3A_247 = arith.constant 0 : i32
        %dma_wait3A_248 = arith.constant 0 : i32
        %dma_wait3A_249 = tpu.memref_slice %arg6[%dma_wait3A, %dma_wait3A_247, %dma_wait3A_248] : memref<7x128x128xf32, #tpu.memory_space<vmem>> -> memref<1x128x128xf32, #tpu.memory_space<vmem>>
        %dma_wait3A_250 = tpu.memref_squeeze %dma_wait3A_249 : memref<1x128x128xf32, #tpu.memory_space<vmem>> -> memref<128x128xf32, #tpu.memory_space<vmem>>
        %dma_wait3A_251 = arith.constant 0 : i32
        %dma_wait3A_252 = tpu.memref_slice %arg5[%add3A_177, %dma_wait3A_251] : memref<50x128xi32, #tpu.memory_space<vmem>> -> memref<1x128xi32, #tpu.memory_space<vmem>>
        %dma_wait3A_253 = tpu.memref_squeeze %dma_wait3A_252 : memref<1x128xi32, #tpu.memory_space<vmem>> -> memref<128xi32, #tpu.memory_space<vmem>>
        %dma_wait3A_254 = arith.constant 0 : i32
        %dma_wait3A_255 = arith.constant 0 : i32
        %dma_wait3A_256 = tpu.memref_slice %arg3[%dma_wait3A_254, %dma_wait3A_255] : memref<100000x128xf32, #tpu.memory_space<hbm>> -> memref<100000x128xf32, #tpu.memory_space<hbm>>
        %dma_wait3A_257 = tpu.memref_slice %arg7[%dma_wait3A_246] : memref<7x!tpu.dma_semaphore, #tpu.memory_space<semaphore_mem>> -> memref<1x!tpu.dma_semaphore, #tpu.memory_space<semaphore_mem>>
        %dma_wait3A_258 = tpu.memref_squeeze %dma_wait3A_257 : memref<1x!tpu.dma_semaphore, #tpu.memory_space<semaphore_mem>> -> memref<!tpu.dma_semaphore, #tpu.memory_space<semaphore_mem>>
        tpu.wait_indirect_dma semaphore(%dma_wait3A_258 : memref<!tpu.dma_semaphore, #tpu.memory_space<semaphore_mem>>) src(%dma_wait3A_256 : memref<100000x128xf32, #tpu.memory_space<hbm>>) dst(%dma_wait3A_250 : memref<128x128xf32, #tpu.memory_space<vmem>>)
        %dma_start3A_259 = arith.constant 4 : i32
        %dma_start3A_260 = arith.constant 4 : i32
        %dma_start3A_261 = arith.constant 0 : i32
        %dma_start3A_262 = arith.constant 0 : i32
        %dma_start3A_263 = tpu.memref_slice %arg6[%dma_start3A_259, %dma_start3A_261, %dma_start3A_262] : memref<7x128x128xf32, #tpu.memory_space<vmem>> -> memref<1x128x128xf32, #tpu.memory_space<vmem>>
        %dma_start3A_264 = tpu.memref_squeeze %dma_start3A_263 : memref<1x128x128xf32, #tpu.memory_space<vmem>> -> memref<128x128xf32, #tpu.memory_space<vmem>>
        %dma_start3A_265 = arith.constant 0 : i32
        %dma_start3A_266 = arith.constant 0 : i32
        %dma_start3A_267 = tpu.memref_slice %arg4[%add3A_177, %dma_start3A_265, %dma_start3A_266] : memref<50x4096x128xf32, #tpu.memory_space<hbm>> -> memref<1x4096x128xf32, #tpu.memory_space<hbm>>
        %dma_start3A_268 = tpu.memref_squeeze %dma_start3A_267 : memref<1x4096x128xf32, #tpu.memory_space<hbm>> -> memref<4096x128xf32, #tpu.memory_space<hbm>>
        %dma_start3A_269 = arith.constant 0 : i32
        %dma_start3A_270 = tpu.memref_slice %dma_start3A_268[%mul3A_2, %dma_start3A_269] : memref<4096x128xf32, #tpu.memory_space<hbm>> -> memref<128x128xf32, #tpu.memory_space<hbm>>
        %dma_start3A_271 = tpu.memref_slice %arg8[%dma_start3A_260] : memref<7x!tpu.dma_semaphore, #tpu.memory_space<semaphore_mem>> -> memref<1x!tpu.dma_semaphore, #tpu.memory_space<semaphore_mem>>
        %dma_start3A_272 = tpu.memref_squeeze %dma_start3A_271 : memref<1x!tpu.dma_semaphore, #tpu.memory_space<semaphore_mem>> -> memref<!tpu.dma_semaphore, #tpu.memory_space<semaphore_mem>>
        %dma_start3A_273 = arith.constant 0 : i32
        %dma_start3A_274 = arith.constant 0 : i32
        %dma_start3A_275 = tpu.memref_slice %arg4[%add3A_177, %dma_start3A_273, %dma_start3A_274] : memref<50x4096x128xf32, #tpu.memory_space<hbm>> -> memref<1x4096x128xf32, #tpu.memory_space<hbm>>
        %dma_start3A_276 = tpu.memref_squeeze %dma_start3A_275 : memref<1x4096x128xf32, #tpu.memory_space<hbm>> -> memref<4096x128xf32, #tpu.memory_space<hbm>>
        %dma_start3A_277 = arith.constant 0 : i32
        %dma_start3A_278 = tpu.memref_slice %dma_start3A_276[%mul3A_2, %dma_start3A_277] : memref<4096x128xf32, #tpu.memory_space<hbm>> -> memref<128x128xf32, #tpu.memory_space<hbm>>
        %dma_start3A_279 = arith.constant 0 : i32
        %dma_start3A_280 = arith.constant 0 : i32
        %dma_start3A_281 = tpu.memref_slice %arg6[%dma_start3A_259, %dma_start3A_279, %dma_start3A_280] : memref<7x128x128xf32, #tpu.memory_space<vmem>> -> memref<1x128x128xf32, #tpu.memory_space<vmem>>
        %dma_start3A_282 = tpu.memref_squeeze %dma_start3A_281 : memref<1x128x128xf32, #tpu.memory_space<vmem>> -> memref<128x128xf32, #tpu.memory_space<vmem>>
        tpu.enqueue_dma source(%dma_start3A_282 : memref<128x128xf32, #tpu.memory_space<vmem>>) target(%dma_start3A_278 : memref<128x128xf32, #tpu.memory_space<hbm>>) target_semaphore(%dma_start3A_272 : memref<!tpu.dma_semaphore, #tpu.memory_space<semaphore_mem>>)
      } else {
      }
      %mul3A_198 = arith.constant 7 : i32
      %mul3A_199 = arith.muli %mul3A_198, %scan3A_82 : i32
      %add3A_200 = arith.constant 5 : i32
      %add3A_201 = arith.addi %mul3A_199, %add3A_200 : i32
      %ge3A_202 = arith.constant 2 : i32
      %ge3A_203 = arith.cmpi sge, %add3A_201, %ge3A_202 : i32
      %lt3A_204 = arith.constant 52 : i32
      %lt3A_205 = arith.cmpi slt, %add3A_201, %lt3A_204 : i32
      %and3A_206 = arith.andi %ge3A_203, %lt3A_205 : i1
      %convert_element_type3A_207 = arith.extui %and3A_206 : i1 to i32
      %cond3A_208 = arith.constant 0 : i32
      %cond3A_209 = arith.cmpi ne, %convert_element_type3A_207, %cond3A_208 : i32
      scf.if %cond3A_209 {
        %sub3A = arith.constant 2 : i32
        %sub3A_246 = arith.subi %add3A_201, %sub3A : i32
        %dma_wait3A = arith.constant 3 : i32
        %dma_wait3A_247 = arith.constant 3 : i32
        %dma_wait3A_248 = arith.constant 0 : i32
        %dma_wait3A_249 = arith.constant 0 : i32
        %dma_wait3A_250 = tpu.memref_slice %arg6[%dma_wait3A, %dma_wait3A_248, %dma_wait3A_249] : memref<7x128x128xf32, #tpu.memory_space<vmem>> -> memref<1x128x128xf32, #tpu.memory_space<vmem>>
        %dma_wait3A_251 = tpu.memref_squeeze %dma_wait3A_250 : memref<1x128x128xf32, #tpu.memory_space<vmem>> -> memref<128x128xf32, #tpu.memory_space<vmem>>
        %dma_wait3A_252 = arith.constant 0 : i32
        %dma_wait3A_253 = arith.constant 0 : i32
        %dma_wait3A_254 = tpu.memref_slice %arg4[%sub3A_246, %dma_wait3A_252, %dma_wait3A_253] : memref<50x4096x128xf32, #tpu.memory_space<hbm>> -> memref<1x4096x128xf32, #tpu.memory_space<hbm>>
        %dma_wait3A_255 = tpu.memref_squeeze %dma_wait3A_254 : memref<1x4096x128xf32, #tpu.memory_space<hbm>> -> memref<4096x128xf32, #tpu.memory_space<hbm>>
        %dma_wait3A_256 = arith.constant 0 : i32
        %dma_wait3A_257 = tpu.memref_slice %dma_wait3A_255[%mul3A_2, %dma_wait3A_256] : memref<4096x128xf32, #tpu.memory_space<hbm>> -> memref<128x128xf32, #tpu.memory_space<hbm>>
        %dma_wait3A_258 = tpu.memref_slice %arg8[%dma_wait3A_247] : memref<7x!tpu.dma_semaphore, #tpu.memory_space<semaphore_mem>> -> memref<1x!tpu.dma_semaphore, #tpu.memory_space<semaphore_mem>>
        %dma_wait3A_259 = tpu.memref_squeeze %dma_wait3A_258 : memref<1x!tpu.dma_semaphore, #tpu.memory_space<semaphore_mem>> -> memref<!tpu.dma_semaphore, #tpu.memory_space<semaphore_mem>>
        %dma_wait3A_260 = arith.constant 0 : i32
        %dma_wait3A_261 = arith.constant 0 : i32
        %dma_wait3A_262 = tpu.memref_slice %arg4[%sub3A_246, %dma_wait3A_260, %dma_wait3A_261] : memref<50x4096x128xf32, #tpu.memory_space<hbm>> -> memref<1x4096x128xf32, #tpu.memory_space<hbm>>
        %dma_wait3A_263 = tpu.memref_squeeze %dma_wait3A_262 : memref<1x4096x128xf32, #tpu.memory_space<hbm>> -> memref<4096x128xf32, #tpu.memory_space<hbm>>
        %dma_wait3A_264 = arith.constant 0 : i32
        %dma_wait3A_265 = tpu.memref_slice %dma_wait3A_263[%mul3A_2, %dma_wait3A_264] : memref<4096x128xf32, #tpu.memory_space<hbm>> -> memref<128x128xf32, #tpu.memory_space<hbm>>
        %dma_wait3A_266 = arith.constant 0 : i32
        %dma_wait3A_267 = arith.constant 0 : i32
        %dma_wait3A_268 = tpu.memref_slice %arg6[%dma_wait3A, %dma_wait3A_266, %dma_wait3A_267] : memref<7x128x128xf32, #tpu.memory_space<vmem>> -> memref<1x128x128xf32, #tpu.memory_space<vmem>>
        %dma_wait3A_269 = tpu.memref_squeeze %dma_wait3A_268 : memref<1x128x128xf32, #tpu.memory_space<vmem>> -> memref<128x128xf32, #tpu.memory_space<vmem>>
        tpu.wait_dma2 semaphore(%dma_wait3A_259 : memref<!tpu.dma_semaphore, #tpu.memory_space<semaphore_mem>>) src(%dma_wait3A_269 : memref<128x128xf32, #tpu.memory_space<vmem>>) dst(%dma_wait3A_265 : memref<128x128xf32, #tpu.memory_space<hbm>>)
      } else {
      }
      %add3A_210 = arith.constant 5 : i32
      %add3A_211 = arith.addi %add3A_201, %add3A_210 : i32
      %lt3A_212 = arith.constant 50 : i32
      %lt3A_213 = arith.cmpi slt, %add3A_211, %lt3A_212 : i32
      %convert_element_type3A_214 = arith.extui %lt3A_213 : i1 to i32
      %cond3A_215 = arith.constant 0 : i32
      %cond3A_216 = arith.cmpi ne, %convert_element_type3A_214, %cond3A_215 : i32
      scf.if %cond3A_216 {
        %add3A_246 = arith.constant 5 : i32
        %add3A_247 = arith.addi %add3A_201, %add3A_246 : i32
        %dma_start3A_248 = arith.constant 3 : i32
        %dma_start3A_249 = arith.constant 3 : i32
        %dma_start3A_250 = arith.constant 0 : i32
        %dma_start3A_251 = arith.constant 0 : i32
        %dma_start3A_252 = tpu.memref_slice %arg6[%dma_start3A_248, %dma_start3A_250, %dma_start3A_251] : memref<7x128x128xf32, #tpu.memory_space<vmem>> -> memref<1x128x128xf32, #tpu.memory_space<vmem>>
        %dma_start3A_253 = tpu.memref_squeeze %dma_start3A_252 : memref<1x128x128xf32, #tpu.memory_space<vmem>> -> memref<128x128xf32, #tpu.memory_space<vmem>>
        %dma_start3A_254 = arith.constant 0 : i32
        %dma_start3A_255 = tpu.memref_slice %arg5[%add3A_247, %dma_start3A_254] : memref<50x128xi32, #tpu.memory_space<vmem>> -> memref<1x128xi32, #tpu.memory_space<vmem>>
        %dma_start3A_256 = tpu.memref_squeeze %dma_start3A_255 : memref<1x128xi32, #tpu.memory_space<vmem>> -> memref<128xi32, #tpu.memory_space<vmem>>
        %dma_start3A_257 = arith.constant 0 : i32
        %dma_start3A_258 = arith.constant 0 : i32
        %dma_start3A_259 = tpu.memref_slice %arg3[%dma_start3A_257, %dma_start3A_258] : memref<100000x128xf32, #tpu.memory_space<hbm>> -> memref<100000x128xf32, #tpu.memory_space<hbm>>
        %dma_start3A_260 = tpu.memref_slice %arg7[%dma_start3A_249] : memref<7x!tpu.dma_semaphore, #tpu.memory_space<semaphore_mem>> -> memref<1x!tpu.dma_semaphore, #tpu.memory_space<semaphore_mem>>
        %dma_start3A_261 = tpu.memref_squeeze %dma_start3A_260 : memref<1x!tpu.dma_semaphore, #tpu.memory_space<semaphore_mem>> -> memref<!tpu.dma_semaphore, #tpu.memory_space<semaphore_mem>>
        tpu.enqueue_indirect_dma source(%dma_start3A_259 : memref<100000x128xf32, #tpu.memory_space<hbm>>) target(%dma_start3A_253 : memref<128x128xf32, #tpu.memory_space<vmem>>) offsets(%dma_start3A_256 : memref<128xi32, #tpu.memory_space<vmem>>) semaphore(%dma_start3A_261 : memref<!tpu.dma_semaphore, #tpu.memory_space<semaphore_mem>>)
      } else {
      }
      %lt3A_217 = arith.constant 50 : i32
      %lt3A_218 = arith.cmpi slt, %add3A_201, %lt3A_217 : i32
      %convert_element_type3A_219 = arith.extui %lt3A_218 : i1 to i32
      %cond3A_220 = arith.constant 0 : i32
      %cond3A_221 = arith.cmpi ne, %convert_element_type3A_219, %cond3A_220 : i32
      scf.if %cond3A_221 {
        %dma_wait3A = arith.constant 5 : i32
        %dma_wait3A_246 = arith.constant 5 : i32
        %dma_wait3A_247 = arith.constant 0 : i32
        %dma_wait3A_248 = arith.constant 0 : i32
        %dma_wait3A_249 = tpu.memref_slice %arg6[%dma_wait3A, %dma_wait3A_247, %dma_wait3A_248] : memref<7x128x128xf32, #tpu.memory_space<vmem>> -> memref<1x128x128xf32, #tpu.memory_space<vmem>>
        %dma_wait3A_250 = tpu.memref_squeeze %dma_wait3A_249 : memref<1x128x128xf32, #tpu.memory_space<vmem>> -> memref<128x128xf32, #tpu.memory_space<vmem>>
        %dma_wait3A_251 = arith.constant 0 : i32
        %dma_wait3A_252 = tpu.memref_slice %arg5[%add3A_201, %dma_wait3A_251] : memref<50x128xi32, #tpu.memory_space<vmem>> -> memref<1x128xi32, #tpu.memory_space<vmem>>
        %dma_wait3A_253 = tpu.memref_squeeze %dma_wait3A_252 : memref<1x128xi32, #tpu.memory_space<vmem>> -> memref<128xi32, #tpu.memory_space<vmem>>
        %dma_wait3A_254 = arith.constant 0 : i32
        %dma_wait3A_255 = arith.constant 0 : i32
        %dma_wait3A_256 = tpu.memref_slice %arg3[%dma_wait3A_254, %dma_wait3A_255] : memref<100000x128xf32, #tpu.memory_space<hbm>> -> memref<100000x128xf32, #tpu.memory_space<hbm>>
        %dma_wait3A_257 = tpu.memref_slice %arg7[%dma_wait3A_246] : memref<7x!tpu.dma_semaphore, #tpu.memory_space<semaphore_mem>> -> memref<1x!tpu.dma_semaphore, #tpu.memory_space<semaphore_mem>>
        %dma_wait3A_258 = tpu.memref_squeeze %dma_wait3A_257 : memref<1x!tpu.dma_semaphore, #tpu.memory_space<semaphore_mem>> -> memref<!tpu.dma_semaphore, #tpu.memory_space<semaphore_mem>>
        tpu.wait_indirect_dma semaphore(%dma_wait3A_258 : memref<!tpu.dma_semaphore, #tpu.memory_space<semaphore_mem>>) src(%dma_wait3A_256 : memref<100000x128xf32, #tpu.memory_space<hbm>>) dst(%dma_wait3A_250 : memref<128x128xf32, #tpu.memory_space<vmem>>)
        %dma_start3A_259 = arith.constant 5 : i32
        %dma_start3A_260 = arith.constant 5 : i32
        %dma_start3A_261 = arith.constant 0 : i32
        %dma_start3A_262 = arith.constant 0 : i32
        %dma_start3A_263 = tpu.memref_slice %arg6[%dma_start3A_259, %dma_start3A_261, %dma_start3A_262] : memref<7x128x128xf32, #tpu.memory_space<vmem>> -> memref<1x128x128xf32, #tpu.memory_space<vmem>>
        %dma_start3A_264 = tpu.memref_squeeze %dma_start3A_263 : memref<1x128x128xf32, #tpu.memory_space<vmem>> -> memref<128x128xf32, #tpu.memory_space<vmem>>
        %dma_start3A_265 = arith.constant 0 : i32
        %dma_start3A_266 = arith.constant 0 : i32
        %dma_start3A_267 = tpu.memref_slice %arg4[%add3A_201, %dma_start3A_265, %dma_start3A_266] : memref<50x4096x128xf32, #tpu.memory_space<hbm>> -> memref<1x4096x128xf32, #tpu.memory_space<hbm>>
        %dma_start3A_268 = tpu.memref_squeeze %dma_start3A_267 : memref<1x4096x128xf32, #tpu.memory_space<hbm>> -> memref<4096x128xf32, #tpu.memory_space<hbm>>
        %dma_start3A_269 = arith.constant 0 : i32
        %dma_start3A_270 = tpu.memref_slice %dma_start3A_268[%mul3A_2, %dma_start3A_269] : memref<4096x128xf32, #tpu.memory_space<hbm>> -> memref<128x128xf32, #tpu.memory_space<hbm>>
        %dma_start3A_271 = tpu.memref_slice %arg8[%dma_start3A_260] : memref<7x!tpu.dma_semaphore, #tpu.memory_space<semaphore_mem>> -> memref<1x!tpu.dma_semaphore, #tpu.memory_space<semaphore_mem>>
        %dma_start3A_272 = tpu.memref_squeeze %dma_start3A_271 : memref<1x!tpu.dma_semaphore, #tpu.memory_space<semaphore_mem>> -> memref<!tpu.dma_semaphore, #tpu.memory_space<semaphore_mem>>
        %dma_start3A_273 = arith.constant 0 : i32
        %dma_start3A_274 = arith.constant 0 : i32
        %dma_start3A_275 = tpu.memref_slice %arg4[%add3A_201, %dma_start3A_273, %dma_start3A_274] : memref<50x4096x128xf32, #tpu.memory_space<hbm>> -> memref<1x4096x128xf32, #tpu.memory_space<hbm>>
        %dma_start3A_276 = tpu.memref_squeeze %dma_start3A_275 : memref<1x4096x128xf32, #tpu.memory_space<hbm>> -> memref<4096x128xf32, #tpu.memory_space<hbm>>
        %dma_start3A_277 = arith.constant 0 : i32
        %dma_start3A_278 = tpu.memref_slice %dma_start3A_276[%mul3A_2, %dma_start3A_277] : memref<4096x128xf32, #tpu.memory_space<hbm>> -> memref<128x128xf32, #tpu.memory_space<hbm>>
        %dma_start3A_279 = arith.constant 0 : i32
        %dma_start3A_280 = arith.constant 0 : i32
        %dma_start3A_281 = tpu.memref_slice %arg6[%dma_start3A_259, %dma_start3A_279, %dma_start3A_280] : memref<7x128x128xf32, #tpu.memory_space<vmem>> -> memref<1x128x128xf32, #tpu.memory_space<vmem>>
        %dma_start3A_282 = tpu.memref_squeeze %dma_start3A_281 : memref<1x128x128xf32, #tpu.memory_space<vmem>> -> memref<128x128xf32, #tpu.memory_space<vmem>>
        tpu.enqueue_dma source(%dma_start3A_282 : memref<128x128xf32, #tpu.memory_space<vmem>>) target(%dma_start3A_278 : memref<128x128xf32, #tpu.memory_space<hbm>>) target_semaphore(%dma_start3A_272 : memref<!tpu.dma_semaphore, #tpu.memory_space<semaphore_mem>>)
      } else {
      }
      %mul3A_222 = arith.constant 7 : i32
      %mul3A_223 = arith.muli %mul3A_222, %scan3A_82 : i32
      %add3A_224 = arith.constant 6 : i32
      %add3A_225 = arith.addi %mul3A_223, %add3A_224 : i32
      %ge3A_226 = arith.constant 2 : i32
      %ge3A_227 = arith.cmpi sge, %add3A_225, %ge3A_226 : i32
      %lt3A_228 = arith.constant 52 : i32
      %lt3A_229 = arith.cmpi slt, %add3A_225, %lt3A_228 : i32
      %and3A_230 = arith.andi %ge3A_227, %lt3A_229 : i1
      %convert_element_type3A_231 = arith.extui %and3A_230 : i1 to i32
      %cond3A_232 = arith.constant 0 : i32
      %cond3A_233 = arith.cmpi ne, %convert_element_type3A_231, %cond3A_232 : i32
      scf.if %cond3A_233 {
        %sub3A = arith.constant 2 : i32
        %sub3A_246 = arith.subi %add3A_225, %sub3A : i32
        %dma_wait3A = arith.constant 4 : i32
        %dma_wait3A_247 = arith.constant 4 : i32
        %dma_wait3A_248 = arith.constant 0 : i32
        %dma_wait3A_249 = arith.constant 0 : i32
        %dma_wait3A_250 = tpu.memref_slice %arg6[%dma_wait3A, %dma_wait3A_248, %dma_wait3A_249] : memref<7x128x128xf32, #tpu.memory_space<vmem>> -> memref<1x128x128xf32, #tpu.memory_space<vmem>>
        %dma_wait3A_251 = tpu.memref_squeeze %dma_wait3A_250 : memref<1x128x128xf32, #tpu.memory_space<vmem>> -> memref<128x128xf32, #tpu.memory_space<vmem>>
        %dma_wait3A_252 = arith.constant 0 : i32
        %dma_wait3A_253 = arith.constant 0 : i32
        %dma_wait3A_254 = tpu.memref_slice %arg4[%sub3A_246, %dma_wait3A_252, %dma_wait3A_253] : memref<50x4096x128xf32, #tpu.memory_space<hbm>> -> memref<1x4096x128xf32, #tpu.memory_space<hbm>>
        %dma_wait3A_255 = tpu.memref_squeeze %dma_wait3A_254 : memref<1x4096x128xf32, #tpu.memory_space<hbm>> -> memref<4096x128xf32, #tpu.memory_space<hbm>>
        %dma_wait3A_256 = arith.constant 0 : i32
        %dma_wait3A_257 = tpu.memref_slice %dma_wait3A_255[%mul3A_2, %dma_wait3A_256] : memref<4096x128xf32, #tpu.memory_space<hbm>> -> memref<128x128xf32, #tpu.memory_space<hbm>>
        %dma_wait3A_258 = tpu.memref_slice %arg8[%dma_wait3A_247] : memref<7x!tpu.dma_semaphore, #tpu.memory_space<semaphore_mem>> -> memref<1x!tpu.dma_semaphore, #tpu.memory_space<semaphore_mem>>
        %dma_wait3A_259 = tpu.memref_squeeze %dma_wait3A_258 : memref<1x!tpu.dma_semaphore, #tpu.memory_space<semaphore_mem>> -> memref<!tpu.dma_semaphore, #tpu.memory_space<semaphore_mem>>
        %dma_wait3A_260 = arith.constant 0 : i32
        %dma_wait3A_261 = arith.constant 0 : i32
        %dma_wait3A_262 = tpu.memref_slice %arg4[%sub3A_246, %dma_wait3A_260, %dma_wait3A_261] : memref<50x4096x128xf32, #tpu.memory_space<hbm>> -> memref<1x4096x128xf32, #tpu.memory_space<hbm>>
        %dma_wait3A_263 = tpu.memref_squeeze %dma_wait3A_262 : memref<1x4096x128xf32, #tpu.memory_space<hbm>> -> memref<4096x128xf32, #tpu.memory_space<hbm>>
        %dma_wait3A_264 = arith.constant 0 : i32
        %dma_wait3A_265 = tpu.memref_slice %dma_wait3A_263[%mul3A_2, %dma_wait3A_264] : memref<4096x128xf32, #tpu.memory_space<hbm>> -> memref<128x128xf32, #tpu.memory_space<hbm>>
        %dma_wait3A_266 = arith.constant 0 : i32
        %dma_wait3A_267 = arith.constant 0 : i32
        %dma_wait3A_268 = tpu.memref_slice %arg6[%dma_wait3A, %dma_wait3A_266, %dma_wait3A_267] : memref<7x128x128xf32, #tpu.memory_space<vmem>> -> memref<1x128x128xf32, #tpu.memory_space<vmem>>
        %dma_wait3A_269 = tpu.memref_squeeze %dma_wait3A_268 : memref<1x128x128xf32, #tpu.memory_space<vmem>> -> memref<128x128xf32, #tpu.memory_space<vmem>>
        tpu.wait_dma2 semaphore(%dma_wait3A_259 : memref<!tpu.dma_semaphore, #tpu.memory_space<semaphore_mem>>) src(%dma_wait3A_269 : memref<128x128xf32, #tpu.memory_space<vmem>>) dst(%dma_wait3A_265 : memref<128x128xf32, #tpu.memory_space<hbm>>)
      } else {
      }
      %add3A_234 = arith.constant 5 : i32
      %add3A_235 = arith.addi %add3A_225, %add3A_234 : i32
      %lt3A_236 = arith.constant 50 : i32
      %lt3A_237 = arith.cmpi slt, %add3A_235, %lt3A_236 : i32
      %convert_element_type3A_238 = arith.extui %lt3A_237 : i1 to i32
      %cond3A_239 = arith.constant 0 : i32
      %cond3A_240 = arith.cmpi ne, %convert_element_type3A_238, %cond3A_239 : i32
      scf.if %cond3A_240 {
        %add3A_246 = arith.constant 5 : i32
        %add3A_247 = arith.addi %add3A_225, %add3A_246 : i32
        %dma_start3A_248 = arith.constant 4 : i32
        %dma_start3A_249 = arith.constant 4 : i32
        %dma_start3A_250 = arith.constant 0 : i32
        %dma_start3A_251 = arith.constant 0 : i32
        %dma_start3A_252 = tpu.memref_slice %arg6[%dma_start3A_248, %dma_start3A_250, %dma_start3A_251] : memref<7x128x128xf32, #tpu.memory_space<vmem>> -> memref<1x128x128xf32, #tpu.memory_space<vmem>>
        %dma_start3A_253 = tpu.memref_squeeze %dma_start3A_252 : memref<1x128x128xf32, #tpu.memory_space<vmem>> -> memref<128x128xf32, #tpu.memory_space<vmem>>
        %dma_start3A_254 = arith.constant 0 : i32
        %dma_start3A_255 = tpu.memref_slice %arg5[%add3A_247, %dma_start3A_254] : memref<50x128xi32, #tpu.memory_space<vmem>> -> memref<1x128xi32, #tpu.memory_space<vmem>>
        %dma_start3A_256 = tpu.memref_squeeze %dma_start3A_255 : memref<1x128xi32, #tpu.memory_space<vmem>> -> memref<128xi32, #tpu.memory_space<vmem>>
        %dma_start3A_257 = arith.constant 0 : i32
        %dma_start3A_258 = arith.constant 0 : i32
        %dma_start3A_259 = tpu.memref_slice %arg3[%dma_start3A_257, %dma_start3A_258] : memref<100000x128xf32, #tpu.memory_space<hbm>> -> memref<100000x128xf32, #tpu.memory_space<hbm>>
        %dma_start3A_260 = tpu.memref_slice %arg7[%dma_start3A_249] : memref<7x!tpu.dma_semaphore, #tpu.memory_space<semaphore_mem>> -> memref<1x!tpu.dma_semaphore, #tpu.memory_space<semaphore_mem>>
        %dma_start3A_261 = tpu.memref_squeeze %dma_start3A_260 : memref<1x!tpu.dma_semaphore, #tpu.memory_space<semaphore_mem>> -> memref<!tpu.dma_semaphore, #tpu.memory_space<semaphore_mem>>
        tpu.enqueue_indirect_dma source(%dma_start3A_259 : memref<100000x128xf32, #tpu.memory_space<hbm>>) target(%dma_start3A_253 : memref<128x128xf32, #tpu.memory_space<vmem>>) offsets(%dma_start3A_256 : memref<128xi32, #tpu.memory_space<vmem>>) semaphore(%dma_start3A_261 : memref<!tpu.dma_semaphore, #tpu.memory_space<semaphore_mem>>)
      } else {
      }
      %lt3A_241 = arith.constant 50 : i32
      %lt3A_242 = arith.cmpi slt, %add3A_225, %lt3A_241 : i32
      %convert_element_type3A_243 = arith.extui %lt3A_242 : i1 to i32
      %cond3A_244 = arith.constant 0 : i32
      %cond3A_245 = arith.cmpi ne, %convert_element_type3A_243, %cond3A_244 : i32
      scf.if %cond3A_245 {
        %dma_wait3A = arith.constant 6 : i32
        %dma_wait3A_246 = arith.constant 6 : i32
        %dma_wait3A_247 = arith.constant 0 : i32
        %dma_wait3A_248 = arith.constant 0 : i32
        %dma_wait3A_249 = tpu.memref_slice %arg6[%dma_wait3A, %dma_wait3A_247, %dma_wait3A_248] : memref<7x128x128xf32, #tpu.memory_space<vmem>> -> memref<1x128x128xf32, #tpu.memory_space<vmem>>
        %dma_wait3A_250 = tpu.memref_squeeze %dma_wait3A_249 : memref<1x128x128xf32, #tpu.memory_space<vmem>> -> memref<128x128xf32, #tpu.memory_space<vmem>>
        %dma_wait3A_251 = arith.constant 0 : i32
        %dma_wait3A_252 = tpu.memref_slice %arg5[%add3A_225, %dma_wait3A_251] : memref<50x128xi32, #tpu.memory_space<vmem>> -> memref<1x128xi32, #tpu.memory_space<vmem>>
        %dma_wait3A_253 = tpu.memref_squeeze %dma_wait3A_252 : memref<1x128xi32, #tpu.memory_space<vmem>> -> memref<128xi32, #tpu.memory_space<vmem>>
        %dma_wait3A_254 = arith.constant 0 : i32
        %dma_wait3A_255 = arith.constant 0 : i32
        %dma_wait3A_256 = tpu.memref_slice %arg3[%dma_wait3A_254, %dma_wait3A_255] : memref<100000x128xf32, #tpu.memory_space<hbm>> -> memref<100000x128xf32, #tpu.memory_space<hbm>>
        %dma_wait3A_257 = tpu.memref_slice %arg7[%dma_wait3A_246] : memref<7x!tpu.dma_semaphore, #tpu.memory_space<semaphore_mem>> -> memref<1x!tpu.dma_semaphore, #tpu.memory_space<semaphore_mem>>
        %dma_wait3A_258 = tpu.memref_squeeze %dma_wait3A_257 : memref<1x!tpu.dma_semaphore, #tpu.memory_space<semaphore_mem>> -> memref<!tpu.dma_semaphore, #tpu.memory_space<semaphore_mem>>
        tpu.wait_indirect_dma semaphore(%dma_wait3A_258 : memref<!tpu.dma_semaphore, #tpu.memory_space<semaphore_mem>>) src(%dma_wait3A_256 : memref<100000x128xf32, #tpu.memory_space<hbm>>) dst(%dma_wait3A_250 : memref<128x128xf32, #tpu.memory_space<vmem>>)
        %dma_start3A_259 = arith.constant 6 : i32
        %dma_start3A_260 = arith.constant 6 : i32
        %dma_start3A_261 = arith.constant 0 : i32
        %dma_start3A_262 = arith.constant 0 : i32
        %dma_start3A_263 = tpu.memref_slice %arg6[%dma_start3A_259, %dma_start3A_261, %dma_start3A_262] : memref<7x128x128xf32, #tpu.memory_space<vmem>> -> memref<1x128x128xf32, #tpu.memory_space<vmem>>
        %dma_start3A_264 = tpu.memref_squeeze %dma_start3A_263 : memref<1x128x128xf32, #tpu.memory_space<vmem>> -> memref<128x128xf32, #tpu.memory_space<vmem>>
        %dma_start3A_265 = arith.constant 0 : i32
        %dma_start3A_266 = arith.constant 0 : i32
        %dma_start3A_267 = tpu.memref_slice %arg4[%add3A_225, %dma_start3A_265, %dma_start3A_266] : memref<50x4096x128xf32, #tpu.memory_space<hbm>> -> memref<1x4096x128xf32, #tpu.memory_space<hbm>>
        %dma_start3A_268 = tpu.memref_squeeze %dma_start3A_267 : memref<1x4096x128xf32, #tpu.memory_space<hbm>> -> memref<4096x128xf32, #tpu.memory_space<hbm>>
        %dma_start3A_269 = arith.constant 0 : i32
        %dma_start3A_270 = tpu.memref_slice %dma_start3A_268[%mul3A_2, %dma_start3A_269] : memref<4096x128xf32, #tpu.memory_space<hbm>> -> memref<128x128xf32, #tpu.memory_space<hbm>>
        %dma_start3A_271 = tpu.memref_slice %arg8[%dma_start3A_260] : memref<7x!tpu.dma_semaphore, #tpu.memory_space<semaphore_mem>> -> memref<1x!tpu.dma_semaphore, #tpu.memory_space<semaphore_mem>>
        %dma_start3A_272 = tpu.memref_squeeze %dma_start3A_271 : memref<1x!tpu.dma_semaphore, #tpu.memory_space<semaphore_mem>> -> memref<!tpu.dma_semaphore, #tpu.memory_space<semaphore_mem>>
        %dma_start3A_273 = arith.constant 0 : i32
        %dma_start3A_274 = arith.constant 0 : i32
        %dma_start3A_275 = tpu.memref_slice %arg4[%add3A_225, %dma_start3A_273, %dma_start3A_274] : memref<50x4096x128xf32, #tpu.memory_space<hbm>> -> memref<1x4096x128xf32, #tpu.memory_space<hbm>>
        %dma_start3A_276 = tpu.memref_squeeze %dma_start3A_275 : memref<1x4096x128xf32, #tpu.memory_space<hbm>> -> memref<4096x128xf32, #tpu.memory_space<hbm>>
        %dma_start3A_277 = arith.constant 0 : i32
        %dma_start3A_278 = tpu.memref_slice %dma_start3A_276[%mul3A_2, %dma_start3A_277] : memref<4096x128xf32, #tpu.memory_space<hbm>> -> memref<128x128xf32, #tpu.memory_space<hbm>>
        %dma_start3A_279 = arith.constant 0 : i32
        %dma_start3A_280 = arith.constant 0 : i32
        %dma_start3A_281 = tpu.memref_slice %arg6[%dma_start3A_259, %dma_start3A_279, %dma_start3A_280] : memref<7x128x128xf32, #tpu.memory_space<vmem>> -> memref<1x128x128xf32, #tpu.memory_space<vmem>>
        %dma_start3A_282 = tpu.memref_squeeze %dma_start3A_281 : memref<1x128x128xf32, #tpu.memory_space<vmem>> -> memref<128x128xf32, #tpu.memory_space<vmem>>
        tpu.enqueue_dma source(%dma_start3A_282 : memref<128x128xf32, #tpu.memory_space<vmem>>) target(%dma_start3A_278 : memref<128x128xf32, #tpu.memory_space<hbm>>) target_semaphore(%dma_start3A_272 : memref<!tpu.dma_semaphore, #tpu.memory_space<semaphore_mem>>)
      } else {
      }
    }
    %scan3A_81 = arith.constant 8 : i32
    return
  }
}

</mosaic_0001>

<sc_bundles>
// kernel: _sc_gather.3.cloned.1.call-start
scs
__scs_entry_jumppad:
0x0: {  	(pc) =	sbr.rel $0x88, $3  }
0x1: {  	(tag) =	ssettag $0x0;
	lr =	simm.s32 $0x1  }
0x2: {  	[smem:$0x3F9F] =	sst lr;
	_ =	strace $0xD0000000  }
0x3: {  	_ = 	snop  }
0x4: {  	_ = 	snop  }
0x5: {  	_ = 	snop  }
0x6: {  	_ = 	snop  }
0x7: {  	_ = 	snop  }
__scs_overlays_trampoline_lowered:
0x8: {  	[smem:$0x3FAE] =	sst s0  }
0x9: {  	[smem:$0x3FAF] =	sst s1  }
0xa: {  	[smem:$0x3FB0] =	sst s2  }
0xb: {  	[smem:$0x3FB1] =	sst s3  }
0xc: {  	[smem:$0x3FB2] =	sst s4  }
0xd: {  	[smem:$0x3FB3] =	sst s5  }
0xe: {  	[smem:$0x3FB4] =	sst s6  }
0xf: {  	[smem:$0x3FB5] =	sst s7  }
0x10: {  	[smem:$0x3FB6] =	sst s8  }
0x11: {  	[smem:$0x3FB7] =	sst s9;
	s0 =	simm.s32 @!p0 $0x0  }
0x12: {  	s1 =	sld [smem:$0x3F9D];
	s0 =	simm.s32 @p0 $0x1  }
0x13: {  	[smem:$0x3FB8] =	sst s0;
	s0 =	simm.s32 @!p1 $0x0  }
0x14: {  	s2 =	sld [smem:$0x3F9C];
	s0 =	simm.s32 @p1 $0x1  }
0x15: {  	[smem:$0x3FB9] =	sst s0;
	s0 =	simm.s32 @!p2 $0x0  }
0x16: {  	s3 =	sld [smem:$0x3FDB];
	s0 =	simm.s32 @p2 $0x1  }
0x17: {  	s4 =	simm.s32 $0x1BF5;
	[smem:$0x3FBB] =	sst s0  }
0x18: {  	s0 =	sld [smem:$0x3F9E];
	_ =	swait.ge [sflag:s4], $0x0  }
0x19: {  	s7 =	sld [smem:$0x3F9F]  }
0x1a: {  	s8 =	sadd.s32 $0xFFFFE003, lr  }
0x1b: {  	s9 =	sadd.s32 $0xFFFFFEF7, lr;
	s5 =	simm.s32 $0xFFFFFFFF;
	p2 =	slt.u32 s8, $0xFFFFF086  }
0x1c: {  	p1 =	slt.u32 s9, $0xF7A;
	s5 =	simm.s32 @!p2 $0x0  }
0x1d: {  	s5 =	simm.s32 @p1 $0x1;
	p0 =	seq.s32 s7, s2  }
0x1e: {  	s7 =	smul.u32 @!p0 $0xF7A, s2;
	p2 =	seq.s32 @!p0 s5, $0x0  }
0x1f: {  	s9 =	smul.u32 $0xF7A, s1;
	s8 =	simm.s32 @!p0 $0x1BF5;
	p2 =	por !p2, p0  }
0x20: {  	[sflag:s8] =	ssyncset.s32 @!p0 $0xFFFFF086;
	s6 =	sadd.s32 @!p0 s3, s7;
	s7 =	simm.s32 @!p0 $0x108  }
0x21: {  	s3 =	sadd.s32 s3, s9;
	s6 =	sadd.s32 @!p0 $0x88, s6;
	s7 =	simm.s32 @p2 $0x1082  }
0x22: {  	[simem:s7], [sflag:s8] =	dma.local @!p0 [hbm:s6], $0xF7A  }
0x23: {  	s9 =	sor.u32 $0xD0000000, s2;
	s6 =	simm.s32 $0x108;
	_ =	swait.ge @!p0 [sflag:s8], $0x0  }
0x24: {  	s3 =	sadd.s32 $0x88, s3;
	s6 =	simm.s32 @!p1 $0x1082;
	[sflag:s4] =	ssyncset.s32 $0xFFFFF086  }
0x25: {  	[simem:s6], [sflag:s4] =	dma.local [hbm:s3], $0xF7A  }
0x26: {  	[smem:$0x3F9F] =	sst s1;
	(tag) =	ssettag s2;
	_ =	strace s9  }
0x27: {  	s1 =	sld [smem:$0x3FAF]  }
0x28: {  	s2 =	sld [smem:$0x3FB0]  }
0x29: {  	s4 =	sld [smem:$0x3FB2]  }
0x2a: {  	p0 =	seq.s32 s5, $0x0;
	s5 =	sld [smem:$0x3FB3]  }
0x2b: {  	s6 =	sld [smem:$0x3FB4]  }
0x2c: {  	s7 =	sld [smem:$0x3FB5]  }
0x2d: {  	s3 =	simm.s32 $0x108;
	s8 =	sld [smem:$0x3FB6]  }
0x2e: {  	s3 =	simm.s32 @!p0 $0x1082;
	s9 =	sld [smem:$0x3FB7]  }
0x2f: {  	lr =	sadd.s32 s0, s3;
	s0 =	sld [smem:$0x3FAE]  }
0x30: {  	s3 =	sld [smem:$0x3FB1]  }
0x31: {  	[smem:$0x3FBA] =	sst s10  }
0x32: {  	s10 =	sld [smem:$0x3FB8];
	_ =	sdelay $0x3  }
0x33: {  	p0 =	seq.s32 s10, $0x1;
	s10 =	sld [smem:$0x3FBA];
	_ =	sdelay $0x3  }
0x34: {  	[smem:$0x3FBA] =	sst s10  }
0x35: {  	s10 =	sld [smem:$0x3FB9];
	_ =	sdelay $0x3  }
0x36: {  	p1 =	seq.s32 s10, $0x1;
	s10 =	sld [smem:$0x3FBA];
	_ =	sdelay $0x3  }
0x37: {  	[smem:$0x3FBA] =	sst s10  }
0x38: {  	s10 =	sld [smem:$0x3FBB]  }
0x39: {  	_ = 	snop;
	(pc) =	sbr.ind lr, $3  }
0x3a: {  	_ = 	snop  }
0x3b: {  	_ = 	snop  }
0x3c: {  	p2 =	seq.s32 s10, $0x1;
	s10 =	sld [smem:$0x3FBA]  }
0x3d: {  	_ =	shalt  }
0x3e: {  	_ =	shalt  }
0x3f: {  	_ =	shalt  }
0x40: {  	_ =	shalt  }
0x41: {  	_ =	shalt  }
0x42: {  	_ =	shalt  }
0x43: {  	_ =	shalt  }
0x44: {  	_ =	shalt  }
0x45: {  	_ =	shalt  }
0x46: {  	_ =	shalt  }
0x47: {  	_ =	shalt  }
0x48: {  	_ =	shalt  }
0x49: {  	_ =	shalt  }
0x4a: {  	_ =	shalt  }
0x4b: {  	_ =	shalt  }
0x4c: {  	_ =	shalt  }
0x4d: {  	_ =	shalt  }
0x4e: {  	_ =	shalt  }
0x4f: {  	_ =	shalt  }
0x50: {  	_ =	shalt  }
0x51: {  	_ =	shalt  }
0x52: {  	_ =	shalt  }
0x53: {  	_ =	shalt  }
0x54: {  	_ =	shalt  }
0x55: {  	_ =	shalt  }
0x56: {  	_ =	shalt  }
0x57: {  	_ =	shalt  }
0x58: {  	_ =	shalt  }
0x59: {  	_ =	shalt  }
0x5a: {  	_ =	shalt  }
0x5b: {  	_ =	shalt  }
0x5c: {  	_ =	shalt  }
0x5d: {  	_ =	shalt  }
0x5e: {  	_ =	shalt  }
0x5f: {  	_ =	shalt  }
0x60: {  	_ =	shalt  }
0x61: {  	_ =	shalt  }
0x62: {  	_ =	shalt  }
0x63: {  	_ =	shalt  }
0x64: {  	_ =	shalt  }
0x65: {  	_ =	shalt  }
0x66: {  	_ =	shalt  }
0x67: {  	_ =	shalt  }
0x68: {  	_ =	shalt  }
0x69: {  	_ =	shalt  }
0x6a: {  	_ =	shalt  }
0x6b: {  	_ =	shalt  }
0x6c: {  	_ =	shalt  }
0x6d: {  	_ =	shalt  }
0x6e: {  	_ =	shalt  }
0x6f: {  	_ =	shalt  }
0x70: {  	_ =	shalt  }
0x71: {  	_ =	shalt  }
0x72: {  	_ =	shalt  }
0x73: {  	_ =	shalt  }
0x74: {  	_ =	shalt  }
0x75: {  	_ =	shalt  }
0x76: {  	_ =	shalt  }
0x77: {  	_ =	shalt  }
0x78: {  	_ =	shalt  }
0x79: {  	_ =	shalt  }
0x7a: {  	_ =	shalt  }
0x7b: {  	_ =	shalt  }
0x7c: {  	_ =	shalt  }
0x7d: {  	_ =	shalt  }
0x7e: {  	_ =	shalt  }
0x7f: {  	_ =	shalt  }
0x80: {  	_ =	shalt  }
0x81: {  	_ =	shalt  }
0x82: {  	_ =	shalt  }
0x83: {  	_ =	shalt  }
0x84: {  	_ =	shalt  }
0x85: {  	_ =	shalt  }
0x86: {  	_ =	shalt  }
0x87: {  	_ =	shalt  }
.Lfunc_end0:
.L_simem_size_0:
called_computation_lowered:
.L_overlay_start_0:
0x88: {  	s2 =	sld [smem:$0x3FD9]  }
0x89: {  	s3 =	sld [smem:$0x3FFE];
	_ =	sdelay $0x1  }
0x8a: {  	s1 =	srdreg.scid  }
0x8b: {  	s0 =	sand.u32 $0x1, s1  }
0x8c: {  	s18 =	sshll.u32 s0, $0xA;
	s2 =	sadd.s32 s3, s2  }
0x8d: {  	s2 =	sadd.s32 s2, s18  }
0x8e: {  	[smem:$0x3FC6] =	sst s2  }
0x8f: {  	_ = 	snop  }
0x90: {  	s2 =	sld [smem:$0x3FC9]  }
0x91: {  	s19 =	sld [smem:$0x3FC8]  }
0x92: {  	s4 =	sld [smem:$0x3FD0];
	(tm) =	ssettm $0x1  }
0x93: {  	s5 =	sld [smem:$0x3FFB];
	_ =	sdelay $0x3  }
0x94: {  	_ =	strace s5  }
0x95: {  	s5 =	sld [smem:$0x3FFC];
	_ =	sdelay $0x3  }
0x96: {  	_ =	strace s5  }
0x97: {  	s5 =	sld [smem:$0x3FFD];
	_ =	sdelay $0x3  }
0x98: {  	_ =	strace s5  }
0x99: {  	_ =	strace $0x8FFFFFFF  }
0x9a: {  	s20 =	sld [smem:$0x3FDB];
	_ =	sdelay $0x1  }
0x9b: {  	s6 =	simm.s32 $_scs_section_size  }
0x9c: {  	s7 =	simm.s32 $_size__tile_overlayer_lowered;
	s8 =	simm.s32 $_tile_overlayer_lowered  }
0x9d: {  	s23 =	simm.s32 $0x1BFF;
	s22 =	sshll.u32 s8, $0x1;
	s5 =	sadd.s32 s6, s20  }
0x9e: {  	s9 =	simm.s32 $0x0;
	s21 =	sshll.u32 s7, $0x1;
	s7 =	sadd.s32 s22, s5  }
0x9f: {  	[timem:s9], [sflag:s23] =	dma.local [hbm:s7], s21  }
0xa0: {  	_ =	swait.ge [sflag:s23], s21  }
0xa1: {  	s6 =	ssub.s32 $0x0, s21;
	[sflag:s23] =	ssyncset.done $0x0  }
0xa2: {  	[sflag:s23] =	ssyncadd.s32 s6;
	_ =	sdelay $0x1  }
0xa3: {  	s24 =	simm.s32 $0x1B8B  }
0xa4: {  	_ =	swait.ge [sflag:s24], $0x1  }
0xa5: {  	[sflag:s24] =	ssyncset.done $0x0  }
0xa6: {  	s25 =	simm.s32 $0x1B8E;
	[sflag:s24] =	ssyncadd.s32 $0xFFFFFFFF  }
0xa7: {  	s26 =	simm.s32 $execute0_lowered;
	[smem:$0x3FD2] =	sst s25  }
0xa8: {  	s6 =	sshll.u32 s26, $0x1;
	_ =	strace $0x80000046;
	[dreg:$0x1] =	wrdreg $0xFFFFFFFF  }
0xa9: {  	s28 =	simm.s32 $_size_execute0_lowered;
	s5 =	sadd.s32 s5, s6;
	[dreg:$0x0] =	wrdreg $0x0  }
0xaa: {  	s6 =	sshll.u32 s28, $0x1;
	[dreg:$0x2] =	wrdreg s5  }
0xab: {  	[dreg:$0x3] =	wrdreg s6  }
0xac: {  	[dreg:$0x4] =	wrdreg $0xC0  }
0xad: {  	_ =	task [dreg:s9], $0x5FFFF  }
0xae: {  	[dreg:$0x1] =	wrdreg $0xFFFFFFFF  }
0xaf: {  	[dreg:$0x0] =	wrdreg $0x60  }
0xb0: {  	[dreg:$0x2] =	wrdreg s2  }
0xb1: {  	[dreg:$0x3] =	wrdreg s19  }
0xb2: {  	[dreg:$0x4] =	wrdreg s4  }
0xb3: {  	[dreg:$0x5] =	wrdreg $0x9  }
0xb4: {  	_ =	task.clear_ibuf [dreg:s9], $0x6FFFF;
	_ =	strace $0x90000046  }
0xb5: {  	s29 =	simm.s32 $0x9;
	_ =	strace $0x80000048  }
0xb6: {  	_ =	swait.ge [sflag:s29], $0x1  }
0xb7: {  	[sflag:s29] =	ssyncadd.s32 $0xFFFFFFFF  }
0xb8: {  	_ =	strace $0x90000048  }
0xb9: {  	_ =	sfence  }
0xba: {  	s30 =	sld [smem:$0x0];
	_ =	sdelay $0x2  }
0xbb: {  	s31 =	sshll.u32 s1, $0xD;
	s1 =	sshrl.u32 s1, $0x2  }
0xbc: {  	s3 =	sand.u32 $0x4000, s31;
	s1 =	sadd.s32 s1, s30  }
0xbd: {  	s0 =	sor.u32 s3, s0;
	s1 =	sshll.u32 s1, $0x11  }
0xbe: {  	s0 =	sor.u32 s1, s0  }
0xbf: {  	s0 =	sadd.s32 $0x8F2B, s0  }
0xc0: {  	[sflag:s0] =	ssyncadd.remote.s32 $0x1  }
0xc1: {  	_ =	sfence.sel $0xFFFF  }
0xc2: {  	[dreg:$0x0] =	wrdreg $0xFFFFFFFF;
	(pc) =	sbr.abs _section_cstart, $3  }
0xc3: {  	[dreg:$0x1] =	wrdreg $0xFFFFFFFF  }
0xc4: {  	_ =	task.clear_ibuf [dreg:s9], $0x2FFFF;
	_ =	strace $0x9FFFFFFF  }
0xc5: {  	(tm) =	ssettm $0x7FFFFFFF  }
tec
execute0_lowered:
.L_overlay_start_1:
0x0: {  	(tag) =	ssettag $0x1  }
0x1: {  	s0 =	rddreg [dreg:$0x0]  }
0x2: {  	s2 =	rddreg [dreg:$0x1]  }
0x3: {  	s1 =	rddreg [dreg:$0x2]  }
0x4: {  	s3 =	srdreg.scid;
	s5 =	stileid.u32;
	s13 =	simm.s32 $0x80  }
0x5: {  	s14 =	simm.s32 $0x1C00;
	s17 =	simm.s32 $0x9C00;
	s19 =	simm.s32 $0xDC00  }
0x6: {  	s21 =	simm.s32 $0x11C00;
	s22 =	simm.s32 $0x1;
	s28 =	simm.s32 $0x9  }
0x7: {  	s29 =	simm.s32 $0x4;
	s30 =	simm.s32 $0xA;
	s31 =	simm.s32 $0x5  }
0x8: {  	s9 =	simm.s32 $0x15C00;
	s10 =	simm.s32 $0xC;
	s11 =	simm.s32 $0x7  }
0x9: {  	s4 =	sand.u32 $0x1, s3;
	s3 =	simm.s32 $0x0;
	s5 =	sshll.u32 s5, $0x8  }
0xa: {  	s26 =	sadd.s32 $0x60000, s1;
	s1 =	simm.s32 $0x6;
	s6 =	sshll.u32 s4, $0x7  }
0xb: {  	[smem:$0x7FF] =	sst s3;
	s4 =	ssub.s32 $0x2, s4;
	s5 =	sor.u32 s6, s5  }
0xc: {  	_ =	strace $0x80000047;
	s23 =	sshrl.u32 s4, $0x1;
	[dreg:$0x7] =	wrdreg s26  }
.Ltmp0:
0xd: {  	s26 =	simm.s32 $0x3;
	s7 =	sadd.s32 s0, s5;
	(pc) =	sbr.rel .LBB2_1-.Ltmp0, $4  }
0xe: {  	s24 =	ssub.s32 s4, s23;
	s6 =	sshll.u32 s5, $0x4;
	s23 =	simm.s32 $0x8  }
0xf: {  	s5 =	simm.s32 $0x0;
	[dreg:$0x4] =	wrdreg s7;
	s25 =	sadd.s32 $0x6000, s7  }
0x10: {  	s0 =	smax.u32 s24, $0x1;
	s24 =	simm.s32 $0x19C00;
	[dreg:$0x5] =	wrdreg s25  }
0x11: {  	[dreg:$0x6] =	wrdreg s0;
	s25 =	simm.s32 $0x2;
	s0 =	simm.s32 $0xB  }
.LBB2_6:
0x12: {  	_ =	swait.ge [sflag:s23], $0x4000  }
0x13: {  	[sflag:s23] =	ssyncset.done $0x0  }
0x14: {  	[sflag:s23] =	ssyncadd.s32 $0xFFFFC000  }
.LBB2_4:
0x15: {  	s5 =	rddreg [dreg:$0x8]  }
0x16: {  	s4 =	rddreg [dreg:$0x6];
	s5 =	sadd.s32 $0x1, s5  }
0x17: {  	p0 =	sne.s32 s5, s4  }
.Ltmp1:
0x18: {  	_ = 	snop;
	(pc) =	sbr.rel @!p0 .LBB2_5-.Ltmp1, $1  }
0x19: {  	_ =	sdelay $0x3  }
.LBB2_1:
0x1a: {  	[dreg:$0x8] =	wrdreg s5  }
0x1b: {  	s4 =	rddreg [dreg:$0x4];
	s20 =	simm.s32 $0x400;
	s7 =	simm.s32 $0x8000  }
0x1c: {  	[tilespmem:s3], [sflag:$0xF] =	stream.strided.gather [hbm4b:s4+s20], $0x1800, s7, s20, $0x38;
	[tilespmem:$0x1DC00] =	vst v63  }
0x1d: {  	s8 =	simm.s32 $0x1800;
	s12 =	simm.s32 $0xF;
	s7 =	rddreg [dreg:$0x5]  }
0x1e: {  	[tilespmem:s8], [sflag:$0xF] =	stream.linear.gather [hbm4b:s7+s3], $0x100, $0x38;
	[tilespmem:$0x1DC00] =	vst v63  }
0x1f: {  	_ =	swait.ge [sflag:s12], $0x1900  }
0x20: {  	[sflag:s12] =	ssyncset.done $0x0  }
0x21: {  	[sflag:s12] =	ssyncadd.s32 $0xFFFFE700  }
0x22: {  	[tilespmem:s14], [sflag:$0x1] =	stream.indirect.gather [hbm4b:s2+s13], $0x80, s3, s13, $0xb8;
	[tilespmem:$0x1DC00] =	vst v63  }
0x23: {  	s15 =	simm.s32 $0x5C00  }
0x24: {  	[tilespmem:s15], [sflag:$0x2] =	stream.indirect.gather [hbm4b:s2+s13], $0x80, s13, s13, $0xb8;
	[tilespmem:$0x1DC00] =	vst v63  }
0x25: {  	s16 =	simm.s32 $0x100  }
0x26: {  	[tilespmem:s17], [sflag:$0x3] =	stream.indirect.gather [hbm4b:s2+s13], $0x80, s16, s13, $0xb8;
	[tilespmem:$0x1DC00] =	vst v63  }
0x27: {  	s18 =	simm.s32 $0x180;
	s5 =	simm.s32 $0x0;
	s20 =	simm.s32 $0x200  }
0x28: {  	[tilespmem:s19], [sflag:$0x4] =	stream.indirect.gather [hbm4b:s2+s13], $0x80, s18, s13, $0xb8;
	[tilespmem:$0x1DC00] =	vst v63  }
0x29: {  	s7 =	simm.s32 $0x0;
	s8 =	rddreg [dreg:$0x7];
	s18 =	simm.s32 $0xFFFFFFFE  }
0x2a: {  	[tilespmem:s21], [sflag:$0x5] =	stream.indirect.gather [hbm4b:s2+s13], $0x80, s20, s13, $0xb8;
	[tilespmem:$0x1DC00] =	vst v63  }
.LBB2_2:
0x2b: {  	p1 =	sgt.u32 s18, $0x31  }
0x2c: {  	s4 =	simm.s32 @!p1 $0xD  }
0x2d: {  	_ =	swait.ge @!p1 [sflag:s4], $0x4000  }
0x2e: {  	p0 =	seq.s32 s5, $0x6200;
	[sflag:s4] =	ssyncset.done @!p1 $0x0  }
0x2f: {  	[sflag:s4] =	ssyncadd.s32 @!p1 $0xFFFFC000;
	s4 =	sshra.s32 @!p0 s5, $0x2  }
0x30: {  	s12 =	simm.s32 @!p0 $0x80;
	s20 =	simm.s32 @!p0 $0x15C00;
	s4 =	sadd.s32 @!p0 $0x280, s4  }
0x31: {  	[tilespmem:s20], [sflag:$0x6] =	stream.indirect.gather @!p0 [hbm4b:s2+s12], $0x80, s4, s12, $0xb8;
	[tilespmem:$0x1DC00] =	vst v63  }
0x32: {  	s4 =	sadd.s32 s6, s8;
	s20 =	sadd.s32 $0x1, s18;
	_ =	swait.ge [sflag:s22], $0x4000  }
0x33: {  	s16 =	sadd.s32 $0xFFFA0000, s4;
	p1 =	sgt.u32 s20, $0x31;
	[sflag:s22] =	ssyncset.done $0x0  }
.Ltmp2:
0x34: {  	s12 =	simm.s32 @!p1 $0xE;
	[sflag:s22] =	ssyncadd.s32 $0xFFFFC000;
	(pc) =	sbr.rel @p0 .LBB2_6-.Ltmp2, $4  }
0x35: {  	[hbm4b:s16+s3] =	stream.linear.scatter [tilespmem:s14], [sflag:$0x8], $0x4000, $0x38;
	[tilespmem:$0x1DC00] =	vst v63  }
0x36: {  	_ =	swait.ge @!p1 [sflag:s12], $0x4000  }
0x37: {  	[sflag:s12] =	ssyncset.done @!p1 $0x0  }
0x38: {  	[sflag:s12] =	ssyncadd.s32 @!p1 $0xFFFFC000  }
0x39: {  	s12 =	sshra.s32 s5, $0x2  }
0x3a: {  	s20 =	sadd.s32 $0x300, s12  }
0x3b: {  	[tilespmem:s24], [sflag:$0x7] =	stream.indirect.gather [hbm4b:s2+s13], $0x80, s20, s13, $0xb8;
	[tilespmem:$0x1DC00] =	vst v63  }
0x3c: {  	_ =	swait.ge [sflag:s25], $0x4000  }
0x3d: {  	[sflag:s25] =	ssyncset.done $0x0  }
0x3e: {  	s16 =	sadd.s32 $0xFFFB0000, s4;
	s15 =	simm.s32 $0x5C00;
	[sflag:s25] =	ssyncadd.s32 $0xFFFFC000  }
0x3f: {  	[hbm4b:s16+s3] =	stream.linear.scatter [tilespmem:s15], [sflag:$0x9], $0x4000, $0x38;
	[tilespmem:$0x1DC00] =	vst v63  }
0x40: {  	_ =	swait.ge [sflag:s23], $0x4000  }
0x41: {  	[sflag:s23] =	ssyncset.done $0x0  }
0x42: {  	s12 =	sadd.s32 $0x380, s12;
	[sflag:s23] =	ssyncadd.s32 $0xFFFFC000  }
0x43: {  	[tilespmem:s14], [sflag:$0x1] =	stream.indirect.gather [hbm4b:s2+s13], $0x80, s12, s13, $0xb8;
	[tilespmem:$0x1DC00] =	vst v63  }
0x44: {  	_ =	swait.ge [sflag:s26], $0x4000  }
0x45: {  	[sflag:s26] =	ssyncset.done $0x0  }
0x46: {  	p0 =	sgt.u32 s7, $0x5;
	s15 =	sadd.s32 $0xFFFC0000, s4;
	[sflag:s26] =	ssyncadd.s32 $0xFFFFC000  }
0x47: {  	[hbm4b:s15+s3] =	stream.linear.scatter [tilespmem:s17], [sflag:$0xA], $0x4000, $0x38;
	[tilespmem:$0x1DC00] =	vst v63  }
0x48: {  	s20 =	sshra.s32 @!p0 s5, $0x2;
	_ =	swait.ge [sflag:s28], $0x4000  }
0x49: {  	s16 =	sadd.s32 @!p0 $0x400, s20;
	[sflag:s28] =	ssyncset.done $0x0  }
0x4a: {  	s12 =	simm.s32 @!p0 $0x80;
	s15 =	simm.s32 @!p0 $0x5C00;
	[sflag:s28] =	ssyncadd.s32 $0xFFFFC000  }
0x4b: {  	[tilespmem:s15], [sflag:$0x2] =	stream.indirect.gather @!p0 [hbm4b:s2+s12], $0x80, s16, s12, $0xb8;
	[tilespmem:$0x1DC00] =	vst v63  }
0x4c: {  	_ =	swait.ge [sflag:s29], $0x4000  }
0x4d: {  	[sflag:s29] =	ssyncset.done $0x0  }
0x4e: {  	s16 =	sadd.s32 $0xFFFD0000, s4;
	[sflag:s29] =	ssyncadd.s32 $0xFFFFC000  }
0x4f: {  	[hbm4b:s16+s3] =	stream.linear.scatter [tilespmem:s19], [sflag:$0xB], $0x4000, $0x38;
	[tilespmem:$0x1DC00] =	vst v63  }
0x50: {  	_ =	swait.ge [sflag:s30], $0x4000  }
0x51: {  	[sflag:s30] =	ssyncset.done $0x0  }
0x52: {  	s15 =	sadd.s32 @!p0 $0x480, s20;
	s16 =	simm.s32 @!p0 $0x9C00;
	[sflag:s30] =	ssyncadd.s32 $0xFFFFC000  }
0x53: {  	[tilespmem:s16], [sflag:$0x3] =	stream.indirect.gather @!p0 [hbm4b:s2+s12], $0x80, s15, s12, $0xb8;
	[tilespmem:$0x1DC00] =	vst v63  }
0x54: {  	_ =	swait.ge [sflag:s31], $0x4000  }
0x55: {  	[sflag:s31] =	ssyncset.done $0x0  }
0x56: {  	s16 =	sadd.s32 $0xFFFE0000, s4;
	[sflag:s31] =	ssyncadd.s32 $0xFFFFC000  }
0x57: {  	[hbm4b:s16+s3] =	stream.linear.scatter [tilespmem:s21], [sflag:$0xC], $0x4000, $0x38;
	[tilespmem:$0x1DC00] =	vst v63  }
0x58: {  	_ =	swait.ge [sflag:s0], $0x4000  }
0x59: {  	[sflag:s0] =	ssyncset.done $0x0  }
0x5a: {  	s15 =	sadd.s32 @!p0 $0x500, s20;
	s16 =	simm.s32 @!p0 $0xDC00;
	[sflag:s0] =	ssyncadd.s32 $0xFFFFC000  }
0x5b: {  	[tilespmem:s16], [sflag:$0x4] =	stream.indirect.gather @!p0 [hbm4b:s2+s12], $0x80, s15, s12, $0xb8;
	[tilespmem:$0x1DC00] =	vst v63  }
0x5c: {  	_ =	swait.ge [sflag:s1], $0x4000  }
0x5d: {  	[sflag:s1] =	ssyncset.done $0x0  }
0x5e: {  	s16 =	sadd.s32 $0xFFFF0000, s4;
	[sflag:s1] =	ssyncadd.s32 $0xFFFFC000  }
0x5f: {  	[hbm4b:s16+s3] =	stream.linear.scatter [tilespmem:s9], [sflag:$0xD], $0x4000, $0x38;
	[tilespmem:$0x1DC00] =	vst v63  }
0x60: {  	_ =	swait.ge [sflag:s10], $0x4000  }
0x61: {  	s5 =	sadd.s32 $0xE00, s5;
	[sflag:s10] =	ssyncset.done $0x0  }
0x62: {  	s15 =	sadd.s32 @!p0 $0x580, s20;
	s16 =	simm.s32 @!p0 $0x11C00;
	[sflag:s10] =	ssyncadd.s32 $0xFFFFC000  }
0x63: {  	[tilespmem:s16], [sflag:$0x5] =	stream.indirect.gather @!p0 [hbm4b:s2+s12], $0x80, s15, s12, $0xb8;
	[tilespmem:$0x1DC00] =	vst v63  }
0x64: {  	p0 =	sne.s32 s5, $0x7000  }
.Ltmp3:
0x65: {  	_ = 	snop;
	(pc) =	sbr.rel @p0 .LBB2_2-.Ltmp3, $4  }
.Ltmp4:
0x66: {  	_ =	swait.ge [sflag:s11], $0x4000;
	(pc) =	sbr.rel @!p0 .LBB2_4-.Ltmp4, $4  }
0x67: {  	s7 =	sadd.s32 $0x1, s7;
	[sflag:s11] =	ssyncset.done $0x0  }
0x68: {  	s18 =	sadd.s32 $0x7, s18;
	s8 =	sadd.s32 $0x70000, s8;
	[sflag:s11] =	ssyncadd.s32 $0xFFFFC000  }
0x69: {  	[hbm4b:s4+s3] =	stream.linear.scatter [tilespmem:s24], [sflag:$0xE], $0x4000, $0x38;
	[tilespmem:$0x1DC00] =	vst v63  }
0x6a: {  	_ = 	snop  }
.LBB2_5:
0x6b: {  	_ =	sfence.sel $0x180000  }
0x6c: {  	[bflag:$0x0] =	sbarrier.arrive $0xFFFF  }
0x6d: {  	_ =	strace $0x90000047  }
0x6e: {  	s0 =	stileid.u32;
	[bflag:$0x2] =	sbarrier.arrive $0xFFFF  }
0x6f: {  	p0 =	sne.s32 s0, $0x0;
	s0 =	rddreg [dreg:$0x3]  }
0x70: {  	s0 =	sadd.s32 @!p0 $0x100000, s0  }
0x71: {  	[sflag:s0] =	ssyncadd.tile.s32 @!p0 $0x1;
	_ =	shalt  }
.Lfunc_end2:
_tile_overlayer_lowered:
.L_overlay_start_2:
0x72: {  	(tag) =	ssettag $0x2  }
0x73: {  	s0 =	rddreg [dreg:$0x0];
	s2 =	stileid.u32  }
0x74: {  	s1 =	rddreg [dreg:$0x1];
	p0 =	sne.s32 s2, $0x0  }
0x75: {  	s3 =	rddreg [dreg:$0x2];
	[bflag:$0x3] =	sbarrier.arrive $0xFFFF;
	s2 =	simm.s32 @!p0 $0x1C0F  }
0x76: {  	[timem:s3], [sflag:s2] =	dma.local @!p0 [hbm:s0], s1  }
0x77: {  	s0 =	simm.s32 @!p0 $0xF  }
0x78: {  	_ =	swait.ge @!p0 [sflag:s0], s1  }
0x79: {  	s1 =	ssub.s32 @!p0 $0x0, s1;
	[sflag:s0] =	ssyncset.done @!p0 $0x0  }
0x7a: {  	[sflag:s0] =	ssyncadd.s32 @!p0 s1  }
0x7b: {  	[bflag:$0x3] =	sbarrier.arrive $0xFFFF  }
0x7c: {  	_ =	shalt  }

</sc_bundles>
